<compile_context>
chip_gen: v7x
topology: tpu7x:2x2x1
jax: 0.10.2.dev20260603
libtpu: 0.0.44.dev20260713+nightly
codegen_flags: <defaults>
</compile_context>

<pallas_src>
import jax
import jax.numpy as jnp
from jax import lax
from jax.experimental import pallas as pl
from jax.experimental.pallas import tpu as pltpu
from jax.experimental.pallas import tpu_sc as plsc

_RATE = 0.1
_KEEP = 1.0 - _RATE
_SEED = 42

_K0 = 0
_K1 = _SEED
_K2 = _K0 ^ _K1 ^ 0x1BD11BDA

_ROT_A = (13, 15, 26, 6)
_ROT_B = (17, 29, 16, 24)
_KS = (_K0, _K1, _K2)

_THRESH = 7549747 << 9

_NNZ = 2684354

_NW = 32
_SC_BLK = 4096
_SC_NBLK = 3
_SC_UNROLL = 4
_SPLIT = _NW * _SC_NBLK * _SC_BLK

_CHUNK = 65536
assert _SPLIT % _CHUNK == 0


def _threefry_bits(lo):
    x0 = jnp.full_like(lo, jnp.uint32(_K0))
    x1 = lo + jnp.uint32(_K1)
    for i in range(5):
        rots = _ROT_A if i % 2 == 0 else _ROT_B
        for r in rots:
            x0 = x0 + x1
            x1 = (x1 << jnp.uint32(r)) | (x1 >> jnp.uint32(32 - r))
            x1 = x1 ^ x0
        x0 = x0 + jnp.uint32(_KS[(i + 1) % 3])
        x1 = x1 + jnp.uint32(_KS[(i + 2) % 3] + i + 1)
    return x0 ^ x1



def _tc_body(v_ref, o_ref):
    pid = pl.program_id(0)
    rows, cols = _CHUNK // 1024, 1024
    row = lax.broadcasted_iota(jnp.uint32, (rows, cols), 0)
    col = lax.broadcasted_iota(jnp.uint32, (rows, cols), 1)
    base = jnp.uint32(_SPLIT) + jnp.uint32(pid) * jnp.uint32(_CHUNK)
    idx = row * jnp.uint32(cols) + col + base
    bits = _threefry_bits(idx)
    keep = bits < jnp.uint32(_THRESH)
    v2 = v_ref[...].reshape(rows, cols)
    out = jnp.where(keep, v2 / jnp.float32(_KEEP), jnp.float32(0.0))
    o_ref[...] = out.reshape(_CHUNK)


def _tc_part(values):
    nblk = pl.cdiv(_NNZ - _SPLIT, _CHUNK)
    off = _SPLIT // _CHUNK
    return pl.pallas_call(
        _tc_body,
        grid=(nblk,),
        in_specs=[pl.BlockSpec((_CHUNK,), lambda i: (i + off,))],
        out_specs=pl.BlockSpec((_CHUNK,), lambda i: (i + off,)),
        out_shape=jax.ShapeDtypeStruct((_NNZ,), jnp.float32),
        compiler_params=pltpu.CompilerParams(
            dimension_semantics=("arbitrary",)),
    )(values)



def _sc_fn(v_hbm, o_hbm, vin, vout):
    wid = lax.axis_index("s") * 2 + lax.axis_index("c")
    base = wid * (_SC_NBLK * _SC_BLK)
    lane = lax.broadcasted_iota(jnp.uint32, (16,), 0)

    def blk_body(b, carry):
        off = base + b * _SC_BLK
        pltpu.sync_copy(v_hbm.at[pl.ds(off, _SC_BLK)], vin)
        off32 = lax.convert_element_type(off, jnp.uint32)

        def vec_body(j, c):
            for u in range(_SC_UNROLL):
                e = j * (16 * _SC_UNROLL) + u * 16
                lo = lane + (off32 + jnp.uint32(e))
                bits = _threefry_bits(lo)
                keep = bits < jnp.uint32(_THRESH)
                vals = vin[pl.ds(e, 16)]
                vout[pl.ds(e, 16)] = jnp.where(
                    keep, vals / jnp.float32(_KEEP), jnp.float32(0.0))
            return c

        lax.fori_loop(0, _SC_BLK // (16 * _SC_UNROLL), vec_body, 0)
        pltpu.sync_copy(vout, o_hbm.at[pl.ds(off, _SC_BLK)])
        return carry

    lax.fori_loop(0, _SC_NBLK, blk_body, 0)


def _sc_part(values):
    mesh = plsc.VectorSubcoreMesh(core_axis_name="c", subcore_axis_name="s")
    run = pl.kernel(
        _sc_fn,
        mesh=mesh,
        out_type=jax.ShapeDtypeStruct((_SPLIT,), jnp.float32),
        scratch_types=[
            pltpu.VMEM((_SC_BLK,), jnp.float32),
            pltpu.VMEM((_SC_BLK,), jnp.float32),
        ],
    )
    return run(values)


def kernel(values, indices):
    sc_out = _sc_part(values)
    tc_out = _tc_part(values)
    return lax.dynamic_update_slice(tc_out, sc_out, (0,)), indices

# --- scband reference (transcript-rebuilt; emitter-appended) ---
"""Pipeline reference for scband-sparse-dropout-61435212202074 (READ-ONLY COPY).

The authoritative reference and input builder live on the scoring server;
editing this copy changes nothing except your own understanding.
"""

import jax, jax.numpy as jnp
import numpy as np

RATE = 0.1
SEED = 42
NNZ = 2684354
N = 16384

def setup_inputs(seed: int = 0) -> dict:
    key = jax.random.key(seed)
    k1, k2 = jax.random.split(key)
    values = jax.random.normal(k1, (NNZ,), dtype=jnp.float32)
    indices = jax.random.randint(k2, (NNZ, 2), 0, N, dtype=jnp.int32)
    return {"values": values, "indices": indices}

def reference(values, indices):
    # Faithful port of ops.sparse_dropout in training mode:
    # drop each nonzero value with probability `rate`, rescale survivors
    # by 1/keep_prob; sparse indices are passed through unchanged.
    keep_prob = 1.0 - RATE
    mask = jax.random.bernoulli(jax.random.key(SEED), keep_prob, values.shape)
    new_values = jnp.where(mask, values / keep_prob, jnp.zeros_like(values))
    return new_values, indices

if __name__ == "__main__":
    import jax
    _d = setup_inputs()
    print(jax.jit(kernel)(*tuple(_d.values())))

</pallas_src>

<mosaic_0001>
#map = affine_map<(d0, d1) -> (0)>
module attributes {stable_mosaic.version = 14 : i64} {
  func.func @_sc_fn(%arg0: i32, %arg1: i32, %arg2: memref<2684354xf32, #tpu.memory_space<hbm>>, %arg3: memref<393216xf32, #tpu.memory_space<hbm>>, %arg4: memref<4096xf32, #tpu.memory_space<vmem>>, %arg5: memref<4096xf32, #tpu.memory_space<vmem>>) attributes {dimension_semantics = [#tpu.dimension_semantics<core_parallel>, #tpu.dimension_semantics<subcore_parallel>], iteration_bounds = array<i64: 2, 16>, scalar_prefetch = 0 : i64, scratch_operands = 2 : i64, tpu.core_type = #tpu.core_type<sc_vector_subcore>, window_params = [{transform_indices = #map}, {transform_indices = #map}]} {
    %mul3A = arith.constant 2 : i32
    %mul3A_0 = arith.muli %arg1, %mul3A : i32
    %add3A = arith.addi %mul3A_0, %arg0 : i32
    %mul3A_1 = arith.constant 12288 : i32
    %mul3A_2 = arith.muli %add3A, %mul3A_1 : i32
    %iota3A = tpu.iota {dimensions = array<i32: 0>} : vector<16xi32>
    %scan3A = arith.constant 0 : i32
    %scan3A_3 = arith.constant 0 : i32
    %scan3A_4 = arith.constant 3 : i32
    %scan3A_5 = arith.addi %scan3A_3, %scan3A_4 : i32
    %scan3A_6 = arith.constant 1 : i32
    scf.for %scan3A_8 = %scan3A_3 to %scan3A_5 step %scan3A_6  : i32 {
      %mul3A_9 = arith.constant 4096 : i32
      %mul3A_10 = arith.muli %scan3A_8, %mul3A_9 : i32
      %add3A_11 = arith.addi %mul3A_2, %mul3A_10 : i32
      "tpu.region"() ({
        %run_scoped3A = tpu.sem_alloc : memref<!tpu.dma_semaphore, #tpu.memory_space<semaphore_mem>>
        %dma_start3A = tpu.memref_slice %arg2[%add3A_11] : memref<2684354xf32, #tpu.memory_space<hbm>> -> memref<4096xf32, #tpu.memory_space<hbm>>
        %dma_start3A_18 = tpu.memref_slice %arg2[%add3A_11] : memref<2684354xf32, #tpu.memory_space<hbm>> -> memref<4096xf32, #tpu.memory_space<hbm>>
        tpu.enqueue_dma source(%dma_start3A_18 : memref<4096xf32, #tpu.memory_space<hbm>>) target(%arg4 : memref<4096xf32, #tpu.memory_space<vmem>>) target_semaphore(%run_scoped3A : memref<!tpu.dma_semaphore, #tpu.memory_space<semaphore_mem>>)
        %dma_wait3A = tpu.memref_slice %arg2[%add3A_11] : memref<2684354xf32, #tpu.memory_space<hbm>> -> memref<4096xf32, #tpu.memory_space<hbm>>
        %dma_wait3A_19 = tpu.memref_slice %arg2[%add3A_11] : memref<2684354xf32, #tpu.memory_space<hbm>> -> memref<4096xf32, #tpu.memory_space<hbm>>
        tpu.wait_dma2 semaphore(%run_scoped3A : memref<!tpu.dma_semaphore, #tpu.memory_space<semaphore_mem>>) src(%dma_wait3A_19 : memref<4096xf32, #tpu.memory_space<hbm>>) dst(%arg4 : memref<4096xf32, #tpu.memory_space<vmem>>)
        tpu.yield
      }) : () -> ()
      %scan3A_12 = arith.constant 0 : i32
      %scan3A_13 = arith.constant 0 : i32
      %scan3A_14 = arith.constant 64 : i32
      %scan3A_15 = arith.addi %scan3A_13, %scan3A_14 : i32
      %scan3A_16 = arith.constant 1 : i32
      scf.for %scan3A_18 = %scan3A_13 to %scan3A_15 step %scan3A_16  : i32 {
        %mul3A_19 = arith.constant 64 : i32
        %mul3A_20 = arith.muli %scan3A_18, %mul3A_19 : i32
        %add3A_21 = arith.constant 0 : i32
        %add3A_22 = arith.addi %mul3A_20, %add3A_21 : i32
        %add3A_23 = arith.addi %add3A_11, %add3A_22 : i32
        %add3A_24 = vector.broadcast %add3A_23 : i32 to vector<16xi32>
        %add3A_25 = arith.addi %iota3A, %add3A_24 : vector<16xi32>
        %broadcast_in_dim3A = arith.constant 0 : i32
        %broadcast_in_dim3A_26 = vector.broadcast %broadcast_in_dim3A : i32 to vector<16xi32>
        %add3A_27 = arith.constant 42 : i32
        %add3A_28 = vector.broadcast %add3A_27 : i32 to vector<16xi32>
        %add3A_29 = arith.addi %add3A_25, %add3A_28 : vector<16xi32>
        %add3A_30 = arith.addi %broadcast_in_dim3A_26, %add3A_29 : vector<16xi32>
        %shift_left3A = arith.constant 13 : i32
        %shift_left3A_31 = vector.broadcast %shift_left3A : i32 to vector<16xi32>
        %shift_left3A_32 = arith.shli %add3A_29, %shift_left3A_31 : vector<16xi32>
        %shift_right_logical3A = arith.constant 19 : i32
        %shift_right_logical3A_33 = vector.broadcast %shift_right_logical3A : i32 to vector<16xi32>
        %shift_right_logical3A_34 = arith.shrui %add3A_29, %shift_right_logical3A_33 : vector<16xi32>
        %or3A = arith.ori %shift_left3A_32, %shift_right_logical3A_34 : vector<16xi32>
        %xor3A = arith.xori %or3A, %add3A_30 : vector<16xi32>
        %add3A_35 = arith.addi %add3A_30, %xor3A : vector<16xi32>
        %shift_left3A_36 = arith.constant 15 : i32
        %shift_left3A_37 = vector.broadcast %shift_left3A_36 : i32 to vector<16xi32>
        %shift_left3A_38 = arith.shli %xor3A, %shift_left3A_37 : vector<16xi32>
        %shift_right_logical3A_39 = arith.constant 17 : i32
        %shift_right_logical3A_40 = vector.broadcast %shift_right_logical3A_39 : i32 to vector<16xi32>
        %shift_right_logical3A_41 = arith.shrui %xor3A, %shift_right_logical3A_40 : vector<16xi32>
        %or3A_42 = arith.ori %shift_left3A_38, %shift_right_logical3A_41 : vector<16xi32>
        %xor3A_43 = arith.xori %or3A_42, %add3A_35 : vector<16xi32>
        %add3A_44 = arith.addi %add3A_35, %xor3A_43 : vector<16xi32>
        %shift_left3A_45 = arith.constant 26 : i32
        %shift_left3A_46 = vector.broadcast %shift_left3A_45 : i32 to vector<16xi32>
        %shift_left3A_47 = arith.shli %xor3A_43, %shift_left3A_46 : vector<16xi32>
        %shift_right_logical3A_48 = arith.constant 6 : i32
        %shift_right_logical3A_49 = vector.broadcast %shift_right_logical3A_48 : i32 to vector<16xi32>
        %shift_right_logical3A_50 = arith.shrui %xor3A_43, %shift_right_logical3A_49 : vector<16xi32>
        %or3A_51 = arith.ori %shift_left3A_47, %shift_right_logical3A_50 : vector<16xi32>
        %xor3A_52 = arith.xori %or3A_51, %add3A_44 : vector<16xi32>
        %add3A_53 = arith.addi %add3A_44, %xor3A_52 : vector<16xi32>
        %shift_left3A_54 = arith.constant 6 : i32
        %shift_left3A_55 = vector.broadcast %shift_left3A_54 : i32 to vector<16xi32>
        %shift_left3A_56 = arith.shli %xor3A_52, %shift_left3A_55 : vector<16xi32>
        %shift_right_logical3A_57 = arith.constant 26 : i32
        %shift_right_logical3A_58 = vector.broadcast %shift_right_logical3A_57 : i32 to vector<16xi32>
        %shift_right_logical3A_59 = arith.shrui %xor3A_52, %shift_right_logical3A_58 : vector<16xi32>
        %or3A_60 = arith.ori %shift_left3A_56, %shift_right_logical3A_59 : vector<16xi32>
        %xor3A_61 = arith.xori %or3A_60, %add3A_53 : vector<16xi32>
        %add3A_62 = arith.constant 42 : i32
        %add3A_63 = vector.broadcast %add3A_62 : i32 to vector<16xi32>
        %add3A_64 = arith.addi %add3A_53, %add3A_63 : vector<16xi32>
        %add3A_65 = arith.constant 466689009 : i32
        %add3A_66 = vector.broadcast %add3A_65 : i32 to vector<16xi32>
        %add3A_67 = arith.addi %xor3A_61, %add3A_66 : vector<16xi32>
        %add3A_68 = arith.addi %add3A_64, %add3A_67 : vector<16xi32>
        %shift_left3A_69 = arith.constant 17 : i32
        %shift_left3A_70 = vector.broadcast %shift_left3A_69 : i32 to vector<16xi32>
        %shift_left3A_71 = arith.shli %add3A_67, %shift_left3A_70 : vector<16xi32>
        %shift_right_logical3A_72 = arith.constant 15 : i32
        %shift_right_logical3A_73 = vector.broadcast %shift_right_logical3A_72 : i32 to vector<16xi32>
        %shift_right_logical3A_74 = arith.shrui %add3A_67, %shift_right_logical3A_73 : vector<16xi32>
        %or3A_75 = arith.ori %shift_left3A_71, %shift_right_logical3A_74 : vector<16xi32>
        %xor3A_76 = arith.xori %or3A_75, %add3A_68 : vector<16xi32>
        %add3A_77 = arith.addi %add3A_68, %xor3A_76 : vector<16xi32>
        %shift_left3A_78 = arith.constant 29 : i32
        %shift_left3A_79 = vector.broadcast %shift_left3A_78 : i32 to vector<16xi32>
        %shift_left3A_80 = arith.shli %xor3A_76, %shift_left3A_79 : vector<16xi32>
        %shift_right_logical3A_81 = arith.constant 3 : i32
        %shift_right_logical3A_82 = vector.broadcast %shift_right_logical3A_81 : i32 to vector<16xi32>
        %shift_right_logical3A_83 = arith.shrui %xor3A_76, %shift_right_logical3A_82 : vector<16xi32>
        %or3A_84 = arith.ori %shift_left3A_80, %shift_right_logical3A_83 : vector<16xi32>
        %xor3A_85 = arith.xori %or3A_84, %add3A_77 : vector<16xi32>
        %add3A_86 = arith.addi %add3A_77, %xor3A_85 : vector<16xi32>
        %shift_left3A_87 = arith.constant 16 : i32
        %shift_left3A_88 = vector.broadcast %shift_left3A_87 : i32 to vector<16xi32>
        %shift_left3A_89 = arith.shli %xor3A_85, %shift_left3A_88 : vector<16xi32>
        %shift_right_logical3A_90 = arith.constant 16 : i32
        %shift_right_logical3A_91 = vector.broadcast %shift_right_logical3A_90 : i32 to vector<16xi32>
        %shift_right_logical3A_92 = arith.shrui %xor3A_85, %shift_right_logical3A_91 : vector<16xi32>
        %or3A_93 = arith.ori %shift_left3A_89, %shift_right_logical3A_92 : vector<16xi32>
        %xor3A_94 = arith.xori %or3A_93, %add3A_86 : vector<16xi32>
        %add3A_95 = arith.addi %add3A_86, %xor3A_94 : vector<16xi32>
        %shift_left3A_96 = arith.constant 24 : i32
        %shift_left3A_97 = vector.broadcast %shift_left3A_96 : i32 to vector<16xi32>
        %shift_left3A_98 = arith.shli %xor3A_94, %shift_left3A_97 : vector<16xi32>
        %shift_right_logical3A_99 = arith.constant 8 : i32
        %shift_right_logical3A_100 = vector.broadcast %shift_right_logical3A_99 : i32 to vector<16xi32>
        %shift_right_logical3A_101 = arith.shrui %xor3A_94, %shift_right_logical3A_100 : vector<16xi32>
        %or3A_102 = arith.ori %shift_left3A_98, %shift_right_logical3A_101 : vector<16xi32>
        %xor3A_103 = arith.xori %or3A_102, %add3A_95 : vector<16xi32>
        %add3A_104 = arith.constant 466689008 : i32
        %add3A_105 = vector.broadcast %add3A_104 : i32 to vector<16xi32>
        %add3A_106 = arith.addi %add3A_95, %add3A_105 : vector<16xi32>
        %add3A_107 = arith.constant 2 : i32
        %add3A_108 = vector.broadcast %add3A_107 : i32 to vector<16xi32>
        %add3A_109 = arith.addi %xor3A_103, %add3A_108 : vector<16xi32>
        %add3A_110 = arith.addi %add3A_106, %add3A_109 : vector<16xi32>
        %shift_left3A_111 = arith.constant 13 : i32
        %shift_left3A_112 = vector.broadcast %shift_left3A_111 : i32 to vector<16xi32>
        %shift_left3A_113 = arith.shli %add3A_109, %shift_left3A_112 : vector<16xi32>
        %shift_right_logical3A_114 = arith.constant 19 : i32
        %shift_right_logical3A_115 = vector.broadcast %shift_right_logical3A_114 : i32 to vector<16xi32>
        %shift_right_logical3A_116 = arith.shrui %add3A_109, %shift_right_logical3A_115 : vector<16xi32>
        %or3A_117 = arith.ori %shift_left3A_113, %shift_right_logical3A_116 : vector<16xi32>
        %xor3A_118 = arith.xori %or3A_117, %add3A_110 : vector<16xi32>
        %add3A_119 = arith.addi %add3A_110, %xor3A_118 : vector<16xi32>
        %shift_left3A_120 = arith.constant 15 : i32
        %shift_left3A_121 = vector.broadcast %shift_left3A_120 : i32 to vector<16xi32>
        %shift_left3A_122 = arith.shli %xor3A_118, %shift_left3A_121 : vector<16xi32>
        %shift_right_logical3A_123 = arith.constant 17 : i32
        %shift_right_logical3A_124 = vector.broadcast %shift_right_logical3A_123 : i32 to vector<16xi32>
        %shift_right_logical3A_125 = arith.shrui %xor3A_118, %shift_right_logical3A_124 : vector<16xi32>
        %or3A_126 = arith.ori %shift_left3A_122, %shift_right_logical3A_125 : vector<16xi32>
        %xor3A_127 = arith.xori %or3A_126, %add3A_119 : vector<16xi32>
        %add3A_128 = arith.addi %add3A_119, %xor3A_127 : vector<16xi32>
        %shift_left3A_129 = arith.constant 26 : i32
        %shift_left3A_130 = vector.broadcast %shift_left3A_129 : i32 to vector<16xi32>
        %shift_left3A_131 = arith.shli %xor3A_127, %shift_left3A_130 : vector<16xi32>
        %shift_right_logical3A_132 = arith.constant 6 : i32
        %shift_right_logical3A_133 = vector.broadcast %shift_right_logical3A_132 : i32 to vector<16xi32>
        %shift_right_logical3A_134 = arith.shrui %xor3A_127, %shift_right_logical3A_133 : vector<16xi32>
        %or3A_135 = arith.ori %shift_left3A_131, %shift_right_logical3A_134 : vector<16xi32>
        %xor3A_136 = arith.xori %or3A_135, %add3A_128 : vector<16xi32>
        %add3A_137 = arith.addi %add3A_128, %xor3A_136 : vector<16xi32>
        %shift_left3A_138 = arith.constant 6 : i32
        %shift_left3A_139 = vector.broadcast %shift_left3A_138 : i32 to vector<16xi32>
        %shift_left3A_140 = arith.shli %xor3A_136, %shift_left3A_139 : vector<16xi32>
        %shift_right_logical3A_141 = arith.constant 26 : i32
        %shift_right_logical3A_142 = vector.broadcast %shift_right_logical3A_141 : i32 to vector<16xi32>
        %shift_right_logical3A_143 = arith.shrui %xor3A_136, %shift_right_logical3A_142 : vector<16xi32>
        %or3A_144 = arith.ori %shift_left3A_140, %shift_right_logical3A_143 : vector<16xi32>
        %xor3A_145 = arith.xori %or3A_144, %add3A_137 : vector<16xi32>
        %add3A_146 = arith.constant 0 : i32
        %add3A_147 = vector.broadcast %add3A_146 : i32 to vector<16xi32>
        %add3A_148 = arith.addi %add3A_137, %add3A_147 : vector<16xi32>
        %add3A_149 = arith.constant 45 : i32
        %add3A_150 = vector.broadcast %add3A_149 : i32 to vector<16xi32>
        %add3A_151 = arith.addi %xor3A_145, %add3A_150 : vector<16xi32>
        %add3A_152 = arith.addi %add3A_148, %add3A_151 : vector<16xi32>
        %shift_left3A_153 = arith.constant 17 : i32
        %shift_left3A_154 = vector.broadcast %shift_left3A_153 : i32 to vector<16xi32>
        %shift_left3A_155 = arith.shli %add3A_151, %shift_left3A_154 : vector<16xi32>
        %shift_right_logical3A_156 = arith.constant 15 : i32
        %shift_right_logical3A_157 = vector.broadcast %shift_right_logical3A_156 : i32 to vector<16xi32>
        %shift_right_logical3A_158 = arith.shrui %add3A_151, %shift_right_logical3A_157 : vector<16xi32>
        %or3A_159 = arith.ori %shift_left3A_155, %shift_right_logical3A_158 : vector<16xi32>
        %xor3A_160 = arith.xori %or3A_159, %add3A_152 : vector<16xi32>
        %add3A_161 = arith.addi %add3A_152, %xor3A_160 : vector<16xi32>
        %shift_left3A_162 = arith.constant 29 : i32
        %shift_left3A_163 = vector.broadcast %shift_left3A_162 : i32 to vector<16xi32>
        %shift_left3A_164 = arith.shli %xor3A_160, %shift_left3A_163 : vector<16xi32>
        %shift_right_logical3A_165 = arith.constant 3 : i32
        %shift_right_logical3A_166 = vector.broadcast %shift_right_logical3A_165 : i32 to vector<16xi32>
        %shift_right_logical3A_167 = arith.shrui %xor3A_160, %shift_right_logical3A_166 : vector<16xi32>
        %or3A_168 = arith.ori %shift_left3A_164, %shift_right_logical3A_167 : vector<16xi32>
        %xor3A_169 = arith.xori %or3A_168, %add3A_161 : vector<16xi32>
        %add3A_170 = arith.addi %add3A_161, %xor3A_169 : vector<16xi32>
        %shift_left3A_171 = arith.constant 16 : i32
        %shift_left3A_172 = vector.broadcast %shift_left3A_171 : i32 to vector<16xi32>
        %shift_left3A_173 = arith.shli %xor3A_169, %shift_left3A_172 : vector<16xi32>
        %shift_right_logical3A_174 = arith.constant 16 : i32
        %shift_right_logical3A_175 = vector.broadcast %shift_right_logical3A_174 : i32 to vector<16xi32>
        %shift_right_logical3A_176 = arith.shrui %xor3A_169, %shift_right_logical3A_175 : vector<16xi32>
        %or3A_177 = arith.ori %shift_left3A_173, %shift_right_logical3A_176 : vector<16xi32>
        %xor3A_178 = arith.xori %or3A_177, %add3A_170 : vector<16xi32>
        %add3A_179 = arith.addi %add3A_170, %xor3A_178 : vector<16xi32>
        %shift_left3A_180 = arith.constant 24 : i32
        %shift_left3A_181 = vector.broadcast %shift_left3A_180 : i32 to vector<16xi32>
        %shift_left3A_182 = arith.shli %xor3A_178, %shift_left3A_181 : vector<16xi32>
        %shift_right_logical3A_183 = arith.constant 8 : i32
        %shift_right_logical3A_184 = vector.broadcast %shift_right_logical3A_183 : i32 to vector<16xi32>
        %shift_right_logical3A_185 = arith.shrui %xor3A_178, %shift_right_logical3A_184 : vector<16xi32>
        %or3A_186 = arith.ori %shift_left3A_182, %shift_right_logical3A_185 : vector<16xi32>
        %xor3A_187 = arith.xori %or3A_186, %add3A_179 : vector<16xi32>
        %add3A_188 = arith.constant 42 : i32
        %add3A_189 = vector.broadcast %add3A_188 : i32 to vector<16xi32>
        %add3A_190 = arith.addi %add3A_179, %add3A_189 : vector<16xi32>
        %add3A_191 = arith.constant 466689012 : i32
        %add3A_192 = vector.broadcast %add3A_191 : i32 to vector<16xi32>
        %add3A_193 = arith.addi %xor3A_187, %add3A_192 : vector<16xi32>
        %add3A_194 = arith.addi %add3A_190, %add3A_193 : vector<16xi32>
        %shift_left3A_195 = arith.constant 13 : i32
        %shift_left3A_196 = vector.broadcast %shift_left3A_195 : i32 to vector<16xi32>
        %shift_left3A_197 = arith.shli %add3A_193, %shift_left3A_196 : vector<16xi32>
        %shift_right_logical3A_198 = arith.constant 19 : i32
        %shift_right_logical3A_199 = vector.broadcast %shift_right_logical3A_198 : i32 to vector<16xi32>
        %shift_right_logical3A_200 = arith.shrui %add3A_193, %shift_right_logical3A_199 : vector<16xi32>
        %or3A_201 = arith.ori %shift_left3A_197, %shift_right_logical3A_200 : vector<16xi32>
        %xor3A_202 = arith.xori %or3A_201, %add3A_194 : vector<16xi32>
        %add3A_203 = arith.addi %add3A_194, %xor3A_202 : vector<16xi32>
        %shift_left3A_204 = arith.constant 15 : i32
        %shift_left3A_205 = vector.broadcast %shift_left3A_204 : i32 to vector<16xi32>
        %shift_left3A_206 = arith.shli %xor3A_202, %shift_left3A_205 : vector<16xi32>
        %shift_right_logical3A_207 = arith.constant 17 : i32
        %shift_right_logical3A_208 = vector.broadcast %shift_right_logical3A_207 : i32 to vector<16xi32>
        %shift_right_logical3A_209 = arith.shrui %xor3A_202, %shift_right_logical3A_208 : vector<16xi32>
        %or3A_210 = arith.ori %shift_left3A_206, %shift_right_logical3A_209 : vector<16xi32>
        %xor3A_211 = arith.xori %or3A_210, %add3A_203 : vector<16xi32>
        %add3A_212 = arith.addi %add3A_203, %xor3A_211 : vector<16xi32>
        %shift_left3A_213 = arith.constant 26 : i32
        %shift_left3A_214 = vector.broadcast %shift_left3A_213 : i32 to vector<16xi32>
        %shift_left3A_215 = arith.shli %xor3A_211, %shift_left3A_214 : vector<16xi32>
        %shift_right_logical3A_216 = arith.constant 6 : i32
        %shift_right_logical3A_217 = vector.broadcast %shift_right_logical3A_216 : i32 to vector<16xi32>
        %shift_right_logical3A_218 = arith.shrui %xor3A_211, %shift_right_logical3A_217 : vector<16xi32>
        %or3A_219 = arith.ori %shift_left3A_215, %shift_right_logical3A_218 : vector<16xi32>
        %xor3A_220 = arith.xori %or3A_219, %add3A_212 : vector<16xi32>
        %add3A_221 = arith.addi %add3A_212, %xor3A_220 : vector<16xi32>
        %shift_left3A_222 = arith.constant 6 : i32
        %shift_left3A_223 = vector.broadcast %shift_left3A_222 : i32 to vector<16xi32>
        %shift_left3A_224 = arith.shli %xor3A_220, %shift_left3A_223 : vector<16xi32>
        %shift_right_logical3A_225 = arith.constant 26 : i32
        %shift_right_logical3A_226 = vector.broadcast %shift_right_logical3A_225 : i32 to vector<16xi32>
        %shift_right_logical3A_227 = arith.shrui %xor3A_220, %shift_right_logical3A_226 : vector<16xi32>
        %or3A_228 = arith.ori %shift_left3A_224, %shift_right_logical3A_227 : vector<16xi32>
        %xor3A_229 = arith.xori %or3A_228, %add3A_221 : vector<16xi32>
        %add3A_230 = arith.constant 466689008 : i32
        %add3A_231 = vector.broadcast %add3A_230 : i32 to vector<16xi32>
        %add3A_232 = arith.addi %add3A_221, %add3A_231 : vector<16xi32>
        %add3A_233 = arith.constant 5 : i32
        %add3A_234 = vector.broadcast %add3A_233 : i32 to vector<16xi32>
        %add3A_235 = arith.addi %xor3A_229, %add3A_234 : vector<16xi32>
        %xor3A_236 = arith.xori %add3A_232, %add3A_235 : vector<16xi32>
        %lt3A = arith.constant -429496832 : i32
        %lt3A_237 = vector.broadcast %lt3A : i32 to vector<16xi32>
        %lt3A_238 = arith.cmpi ult, %xor3A_236, %lt3A_237 : vector<16xi32>
        %get3A = arith.index_cast %add3A_22 : i32 to index
        %get3A_239 = tpu.vector_load %arg4[%get3A] {strides = array<i32>} : memref<4096xf32, #tpu.memory_space<vmem>>, vector<16xf32>,
        %get3A_240 = vector.shape_cast %get3A_239 : vector<16xf32> to vector<16xf32>
        %div3A = arith.constant 0.899999976 : f32
        %div3A_241 = vector.broadcast %div3A : f32 to vector<16xf32>
        %div3A_242 = arith.divf %get3A_240, %div3A_241 : vector<16xf32>
        %jit3A = arith.constant 0.000000e+00 : f32
        %broadcast_in_dim3A_243 = vector.broadcast %jit3A : f32 to vector<16xf32>
        %select_n3A = arith.select %lt3A_238, %div3A_242, %broadcast_in_dim3A_243 : vector<16xi1>, vector<16xf32>
        %swap3A = arith.index_cast %add3A_22 : i32 to index
        %swap3A_244 = tpu.vector_load %arg5[%swap3A] {strides = array<i32>} : memref<4096xf32, #tpu.memory_space<vmem>>, vector<16xf32>,
        %swap3A_245 = vector.shape_cast %swap3A_244 : vector<16xf32> to vector<16xf32>
        %swap3A_246 = vector.shape_cast %select_n3A : vector<16xf32> to vector<16xf32>
        tpu.vector_store %arg5[%swap3A], %swap3A_246 {strides = array<i32>} : memref<4096xf32, #tpu.memory_space<vmem>>, vector<16xf32>,
        %mul3A_247 = arith.constant 64 : i32
        %mul3A_248 = arith.muli %scan3A_18, %mul3A_247 : i32
        %add3A_249 = arith.constant 16 : i32
        %add3A_250 = arith.addi %mul3A_248, %add3A_249 : i32
        %add3A_251 = arith.addi %add3A_11, %add3A_250 : i32
        %add3A_252 = vector.broadcast %add3A_251 : i32 to vector<16xi32>
        %add3A_253 = arith.addi %iota3A, %add3A_252 : vector<16xi32>
        %broadcast_in_dim3A_254 = arith.constant 0 : i32
        %broadcast_in_dim3A_255 = vector.broadcast %broadcast_in_dim3A_254 : i32 to vector<16xi32>
        %add3A_256 = arith.constant 42 : i32
        %add3A_257 = vector.broadcast %add3A_256 : i32 to vector<16xi32>
        %add3A_258 = arith.addi %add3A_253, %add3A_257 : vector<16xi32>
        %add3A_259 = arith.addi %broadcast_in_dim3A_255, %add3A_258 : vector<16xi32>
        %shift_left3A_260 = arith.constant 13 : i32
        %shift_left3A_261 = vector.broadcast %shift_left3A_260 : i32 to vector<16xi32>
        %shift_left3A_262 = arith.shli %add3A_258, %shift_left3A_261 : vector<16xi32>
        %shift_right_logical3A_263 = arith.constant 19 : i32
        %shift_right_logical3A_264 = vector.broadcast %shift_right_logical3A_263 : i32 to vector<16xi32>
        %shift_right_logical3A_265 = arith.shrui %add3A_258, %shift_right_logical3A_264 : vector<16xi32>
        %or3A_266 = arith.ori %shift_left3A_262, %shift_right_logical3A_265 : vector<16xi32>
        %xor3A_267 = arith.xori %or3A_266, %add3A_259 : vector<16xi32>
        %add3A_268 = arith.addi %add3A_259, %xor3A_267 : vector<16xi32>
        %shift_left3A_269 = arith.constant 15 : i32
        %shift_left3A_270 = vector.broadcast %shift_left3A_269 : i32 to vector<16xi32>
        %shift_left3A_271 = arith.shli %xor3A_267, %shift_left3A_270 : vector<16xi32>
        %shift_right_logical3A_272 = arith.constant 17 : i32
        %shift_right_logical3A_273 = vector.broadcast %shift_right_logical3A_272 : i32 to vector<16xi32>
        %shift_right_logical3A_274 = arith.shrui %xor3A_267, %shift_right_logical3A_273 : vector<16xi32>
        %or3A_275 = arith.ori %shift_left3A_271, %shift_right_logical3A_274 : vector<16xi32>
        %xor3A_276 = arith.xori %or3A_275, %add3A_268 : vector<16xi32>
        %add3A_277 = arith.addi %add3A_268, %xor3A_276 : vector<16xi32>
        %shift_left3A_278 = arith.constant 26 : i32
        %shift_left3A_279 = vector.broadcast %shift_left3A_278 : i32 to vector<16xi32>
        %shift_left3A_280 = arith.shli %xor3A_276, %shift_left3A_279 : vector<16xi32>
        %shift_right_logical3A_281 = arith.constant 6 : i32
        %shift_right_logical3A_282 = vector.broadcast %shift_right_logical3A_281 : i32 to vector<16xi32>
        %shift_right_logical3A_283 = arith.shrui %xor3A_276, %shift_right_logical3A_282 : vector<16xi32>
        %or3A_284 = arith.ori %shift_left3A_280, %shift_right_logical3A_283 : vector<16xi32>
        %xor3A_285 = arith.xori %or3A_284, %add3A_277 : vector<16xi32>
        %add3A_286 = arith.addi %add3A_277, %xor3A_285 : vector<16xi32>
        %shift_left3A_287 = arith.constant 6 : i32
        %shift_left3A_288 = vector.broadcast %shift_left3A_287 : i32 to vector<16xi32>
        %shift_left3A_289 = arith.shli %xor3A_285, %shift_left3A_288 : vector<16xi32>
        %shift_right_logical3A_290 = arith.constant 26 : i32
        %shift_right_logical3A_291 = vector.broadcast %shift_right_logical3A_290 : i32 to vector<16xi32>
        %shift_right_logical3A_292 = arith.shrui %xor3A_285, %shift_right_logical3A_291 : vector<16xi32>
        %or3A_293 = arith.ori %shift_left3A_289, %shift_right_logical3A_292 : vector<16xi32>
        %xor3A_294 = arith.xori %or3A_293, %add3A_286 : vector<16xi32>
        %add3A_295 = arith.constant 42 : i32
        %add3A_296 = vector.broadcast %add3A_295 : i32 to vector<16xi32>
        %add3A_297 = arith.addi %add3A_286, %add3A_296 : vector<16xi32>
        %add3A_298 = arith.constant 466689009 : i32
        %add3A_299 = vector.broadcast %add3A_298 : i32 to vector<16xi32>
        %add3A_300 = arith.addi %xor3A_294, %add3A_299 : vector<16xi32>
        %add3A_301 = arith.addi %add3A_297, %add3A_300 : vector<16xi32>
        %shift_left3A_302 = arith.constant 17 : i32
        %shift_left3A_303 = vector.broadcast %shift_left3A_302 : i32 to vector<16xi32>
        %shift_left3A_304 = arith.shli %add3A_300, %shift_left3A_303 : vector<16xi32>
        %shift_right_logical3A_305 = arith.constant 15 : i32
        %shift_right_logical3A_306 = vector.broadcast %shift_right_logical3A_305 : i32 to vector<16xi32>
        %shift_right_logical3A_307 = arith.shrui %add3A_300, %shift_right_logical3A_306 : vector<16xi32>
        %or3A_308 = arith.ori %shift_left3A_304, %shift_right_logical3A_307 : vector<16xi32>
        %xor3A_309 = arith.xori %or3A_308, %add3A_301 : vector<16xi32>
        %add3A_310 = arith.addi %add3A_301, %xor3A_309 : vector<16xi32>
        %shift_left3A_311 = arith.constant 29 : i32
        %shift_left3A_312 = vector.broadcast %shift_left3A_311 : i32 to vector<16xi32>
        %shift_left3A_313 = arith.shli %xor3A_309, %shift_left3A_312 : vector<16xi32>
        %shift_right_logical3A_314 = arith.constant 3 : i32
        %shift_right_logical3A_315 = vector.broadcast %shift_right_logical3A_314 : i32 to vector<16xi32>
        %shift_right_logical3A_316 = arith.shrui %xor3A_309, %shift_right_logical3A_315 : vector<16xi32>
        %or3A_317 = arith.ori %shift_left3A_313, %shift_right_logical3A_316 : vector<16xi32>
        %xor3A_318 = arith.xori %or3A_317, %add3A_310 : vector<16xi32>
        %add3A_319 = arith.addi %add3A_310, %xor3A_318 : vector<16xi32>
        %shift_left3A_320 = arith.constant 16 : i32
        %shift_left3A_321 = vector.broadcast %shift_left3A_320 : i32 to vector<16xi32>
        %shift_left3A_322 = arith.shli %xor3A_318, %shift_left3A_321 : vector<16xi32>
        %shift_right_logical3A_323 = arith.constant 16 : i32
        %shift_right_logical3A_324 = vector.broadcast %shift_right_logical3A_323 : i32 to vector<16xi32>
        %shift_right_logical3A_325 = arith.shrui %xor3A_318, %shift_right_logical3A_324 : vector<16xi32>
        %or3A_326 = arith.ori %shift_left3A_322, %shift_right_logical3A_325 : vector<16xi32>
        %xor3A_327 = arith.xori %or3A_326, %add3A_319 : vector<16xi32>
        %add3A_328 = arith.addi %add3A_319, %xor3A_327 : vector<16xi32>
        %shift_left3A_329 = arith.constant 24 : i32
        %shift_left3A_330 = vector.broadcast %shift_left3A_329 : i32 to vector<16xi32>
        %shift_left3A_331 = arith.shli %xor3A_327, %shift_left3A_330 : vector<16xi32>
        %shift_right_logical3A_332 = arith.constant 8 : i32
        %shift_right_logical3A_333 = vector.broadcast %shift_right_logical3A_332 : i32 to vector<16xi32>
        %shift_right_logical3A_334 = arith.shrui %xor3A_327, %shift_right_logical3A_333 : vector<16xi32>
        %or3A_335 = arith.ori %shift_left3A_331, %shift_right_logical3A_334 : vector<16xi32>
        %xor3A_336 = arith.xori %or3A_335, %add3A_328 : vector<16xi32>
        %add3A_337 = arith.constant 466689008 : i32
        %add3A_338 = vector.broadcast %add3A_337 : i32 to vector<16xi32>
        %add3A_339 = arith.addi %add3A_328, %add3A_338 : vector<16xi32>
        %add3A_340 = arith.constant 2 : i32
        %add3A_341 = vector.broadcast %add3A_340 : i32 to vector<16xi32>
        %add3A_342 = arith.addi %xor3A_336, %add3A_341 : vector<16xi32>
        %add3A_343 = arith.addi %add3A_339, %add3A_342 : vector<16xi32>
        %shift_left3A_344 = arith.constant 13 : i32
        %shift_left3A_345 = vector.broadcast %shift_left3A_344 : i32 to vector<16xi32>
        %shift_left3A_346 = arith.shli %add3A_342, %shift_left3A_345 : vector<16xi32>
        %shift_right_logical3A_347 = arith.constant 19 : i32
        %shift_right_logical3A_348 = vector.broadcast %shift_right_logical3A_347 : i32 to vector<16xi32>
        %shift_right_logical3A_349 = arith.shrui %add3A_342, %shift_right_logical3A_348 : vector<16xi32>
        %or3A_350 = arith.ori %shift_left3A_346, %shift_right_logical3A_349 : vector<16xi32>
        %xor3A_351 = arith.xori %or3A_350, %add3A_343 : vector<16xi32>
        %add3A_352 = arith.addi %add3A_343, %xor3A_351 : vector<16xi32>
        %shift_left3A_353 = arith.constant 15 : i32
        %shift_left3A_354 = vector.broadcast %shift_left3A_353 : i32 to vector<16xi32>
        %shift_left3A_355 = arith.shli %xor3A_351, %shift_left3A_354 : vector<16xi32>
        %shift_right_logical3A_356 = arith.constant 17 : i32
        %shift_right_logical3A_357 = vector.broadcast %shift_right_logical3A_356 : i32 to vector<16xi32>
        %shift_right_logical3A_358 = arith.shrui %xor3A_351, %shift_right_logical3A_357 : vector<16xi32>
        %or3A_359 = arith.ori %shift_left3A_355, %shift_right_logical3A_358 : vector<16xi32>
        %xor3A_360 = arith.xori %or3A_359, %add3A_352 : vector<16xi32>
        %add3A_361 = arith.addi %add3A_352, %xor3A_360 : vector<16xi32>
        %shift_left3A_362 = arith.constant 26 : i32
        %shift_left3A_363 = vector.broadcast %shift_left3A_362 : i32 to vector<16xi32>
        %shift_left3A_364 = arith.shli %xor3A_360, %shift_left3A_363 : vector<16xi32>
        %shift_right_logical3A_365 = arith.constant 6 : i32
        %shift_right_logical3A_366 = vector.broadcast %shift_right_logical3A_365 : i32 to vector<16xi32>
        %shift_right_logical3A_367 = arith.shrui %xor3A_360, %shift_right_logical3A_366 : vector<16xi32>
        %or3A_368 = arith.ori %shift_left3A_364, %shift_right_logical3A_367 : vector<16xi32>
        %xor3A_369 = arith.xori %or3A_368, %add3A_361 : vector<16xi32>
        %add3A_370 = arith.addi %add3A_361, %xor3A_369 : vector<16xi32>
        %shift_left3A_371 = arith.constant 6 : i32
        %shift_left3A_372 = vector.broadcast %shift_left3A_371 : i32 to vector<16xi32>
        %shift_left3A_373 = arith.shli %xor3A_369, %shift_left3A_372 : vector<16xi32>
        %shift_right_logical3A_374 = arith.constant 26 : i32
        %shift_right_logical3A_375 = vector.broadcast %shift_right_logical3A_374 : i32 to vector<16xi32>
        %shift_right_logical3A_376 = arith.shrui %xor3A_369, %shift_right_logical3A_375 : vector<16xi32>
        %or3A_377 = arith.ori %shift_left3A_373, %shift_right_logical3A_376 : vector<16xi32>
        %xor3A_378 = arith.xori %or3A_377, %add3A_370 : vector<16xi32>
        %add3A_379 = arith.constant 0 : i32
        %add3A_380 = vector.broadcast %add3A_379 : i32 to vector<16xi32>
        %add3A_381 = arith.addi %add3A_370, %add3A_380 : vector<16xi32>
        %add3A_382 = arith.constant 45 : i32
        %add3A_383 = vector.broadcast %add3A_382 : i32 to vector<16xi32>
        %add3A_384 = arith.addi %xor3A_378, %add3A_383 : vector<16xi32>
        %add3A_385 = arith.addi %add3A_381, %add3A_384 : vector<16xi32>
        %shift_left3A_386 = arith.constant 17 : i32
        %shift_left3A_387 = vector.broadcast %shift_left3A_386 : i32 to vector<16xi32>
        %shift_left3A_388 = arith.shli %add3A_384, %shift_left3A_387 : vector<16xi32>
        %shift_right_logical3A_389 = arith.constant 15 : i32
        %shift_right_logical3A_390 = vector.broadcast %shift_right_logical3A_389 : i32 to vector<16xi32>
        %shift_right_logical3A_391 = arith.shrui %add3A_384, %shift_right_logical3A_390 : vector<16xi32>
        %or3A_392 = arith.ori %shift_left3A_388, %shift_right_logical3A_391 : vector<16xi32>
        %xor3A_393 = arith.xori %or3A_392, %add3A_385 : vector<16xi32>
        %add3A_394 = arith.addi %add3A_385, %xor3A_393 : vector<16xi32>
        %shift_left3A_395 = arith.constant 29 : i32
        %shift_left3A_396 = vector.broadcast %shift_left3A_395 : i32 to vector<16xi32>
        %shift_left3A_397 = arith.shli %xor3A_393, %shift_left3A_396 : vector<16xi32>
        %shift_right_logical3A_398 = arith.constant 3 : i32
        %shift_right_logical3A_399 = vector.broadcast %shift_right_logical3A_398 : i32 to vector<16xi32>
        %shift_right_logical3A_400 = arith.shrui %xor3A_393, %shift_right_logical3A_399 : vector<16xi32>
        %or3A_401 = arith.ori %shift_left3A_397, %shift_right_logical3A_400 : vector<16xi32>
        %xor3A_402 = arith.xori %or3A_401, %add3A_394 : vector<16xi32>
        %add3A_403 = arith.addi %add3A_394, %xor3A_402 : vector<16xi32>
        %shift_left3A_404 = arith.constant 16 : i32
        %shift_left3A_405 = vector.broadcast %shift_left3A_404 : i32 to vector<16xi32>
        %shift_left3A_406 = arith.shli %xor3A_402, %shift_left3A_405 : vector<16xi32>
        %shift_right_logical3A_407 = arith.constant 16 : i32
        %shift_right_logical3A_408 = vector.broadcast %shift_right_logical3A_407 : i32 to vector<16xi32>
        %shift_right_logical3A_409 = arith.shrui %xor3A_402, %shift_right_logical3A_408 : vector<16xi32>
        %or3A_410 = arith.ori %shift_left3A_406, %shift_right_logical3A_409 : vector<16xi32>
        %xor3A_411 = arith.xori %or3A_410, %add3A_403 : vector<16xi32>
        %add3A_412 = arith.addi %add3A_403, %xor3A_411 : vector<16xi32>
        %shift_left3A_413 = arith.constant 24 : i32
        %shift_left3A_414 = vector.broadcast %shift_left3A_413 : i32 to vector<16xi32>
        %shift_left3A_415 = arith.shli %xor3A_411, %shift_left3A_414 : vector<16xi32>
        %shift_right_logical3A_416 = arith.constant 8 : i32
        %shift_right_logical3A_417 = vector.broadcast %shift_right_logical3A_416 : i32 to vector<16xi32>
        %shift_right_logical3A_418 = arith.shrui %xor3A_411, %shift_right_logical3A_417 : vector<16xi32>
        %or3A_419 = arith.ori %shift_left3A_415, %shift_right_logical3A_418 : vector<16xi32>
        %xor3A_420 = arith.xori %or3A_419, %add3A_412 : vector<16xi32>
        %add3A_421 = arith.constant 42 : i32
        %add3A_422 = vector.broadcast %add3A_421 : i32 to vector<16xi32>
        %add3A_423 = arith.addi %add3A_412, %add3A_422 : vector<16xi32>
        %add3A_424 = arith.constant 466689012 : i32
        %add3A_425 = vector.broadcast %add3A_424 : i32 to vector<16xi32>
        %add3A_426 = arith.addi %xor3A_420, %add3A_425 : vector<16xi32>
        %add3A_427 = arith.addi %add3A_423, %add3A_426 : vector<16xi32>
        %shift_left3A_428 = arith.constant 13 : i32
        %shift_left3A_429 = vector.broadcast %shift_left3A_428 : i32 to vector<16xi32>
        %shift_left3A_430 = arith.shli %add3A_426, %shift_left3A_429 : vector<16xi32>
        %shift_right_logical3A_431 = arith.constant 19 : i32
        %shift_right_logical3A_432 = vector.broadcast %shift_right_logical3A_431 : i32 to vector<16xi32>
        %shift_right_logical3A_433 = arith.shrui %add3A_426, %shift_right_logical3A_432 : vector<16xi32>
        %or3A_434 = arith.ori %shift_left3A_430, %shift_right_logical3A_433 : vector<16xi32>
        %xor3A_435 = arith.xori %or3A_434, %add3A_427 : vector<16xi32>
        %add3A_436 = arith.addi %add3A_427, %xor3A_435 : vector<16xi32>
        %shift_left3A_437 = arith.constant 15 : i32
        %shift_left3A_438 = vector.broadcast %shift_left3A_437 : i32 to vector<16xi32>
        %shift_left3A_439 = arith.shli %xor3A_435, %shift_left3A_438 : vector<16xi32>
        %shift_right_logical3A_440 = arith.constant 17 : i32
        %shift_right_logical3A_441 = vector.broadcast %shift_right_logical3A_440 : i32 to vector<16xi32>
        %shift_right_logical3A_442 = arith.shrui %xor3A_435, %shift_right_logical3A_441 : vector<16xi32>
        %or3A_443 = arith.ori %shift_left3A_439, %shift_right_logical3A_442 : vector<16xi32>
        %xor3A_444 = arith.xori %or3A_443, %add3A_436 : vector<16xi32>
        %add3A_445 = arith.addi %add3A_436, %xor3A_444 : vector<16xi32>
        %shift_left3A_446 = arith.constant 26 : i32
        %shift_left3A_447 = vector.broadcast %shift_left3A_446 : i32 to vector<16xi32>
        %shift_left3A_448 = arith.shli %xor3A_444, %shift_left3A_447 : vector<16xi32>
        %shift_right_logical3A_449 = arith.constant 6 : i32
        %shift_right_logical3A_450 = vector.broadcast %shift_right_logical3A_449 : i32 to vector<16xi32>
        %shift_right_logical3A_451 = arith.shrui %xor3A_444, %shift_right_logical3A_450 : vector<16xi32>
        %or3A_452 = arith.ori %shift_left3A_448, %shift_right_logical3A_451 : vector<16xi32>
        %xor3A_453 = arith.xori %or3A_452, %add3A_445 : vector<16xi32>
        %add3A_454 = arith.addi %add3A_445, %xor3A_453 : vector<16xi32>
        %shift_left3A_455 = arith.constant 6 : i32
        %shift_left3A_456 = vector.broadcast %shift_left3A_455 : i32 to vector<16xi32>
        %shift_left3A_457 = arith.shli %xor3A_453, %shift_left3A_456 : vector<16xi32>
        %shift_right_logical3A_458 = arith.constant 26 : i32
        %shift_right_logical3A_459 = vector.broadcast %shift_right_logical3A_458 : i32 to vector<16xi32>
        %shift_right_logical3A_460 = arith.shrui %xor3A_453, %shift_right_logical3A_459 : vector<16xi32>
        %or3A_461 = arith.ori %shift_left3A_457, %shift_right_logical3A_460 : vector<16xi32>
        %xor3A_462 = arith.xori %or3A_461, %add3A_454 : vector<16xi32>
        %add3A_463 = arith.constant 466689008 : i32
        %add3A_464 = vector.broadcast %add3A_463 : i32 to vector<16xi32>
        %add3A_465 = arith.addi %add3A_454, %add3A_464 : vector<16xi32>
        %add3A_466 = arith.constant 5 : i32
        %add3A_467 = vector.broadcast %add3A_466 : i32 to vector<16xi32>
        %add3A_468 = arith.addi %xor3A_462, %add3A_467 : vector<16xi32>
        %xor3A_469 = arith.xori %add3A_465, %add3A_468 : vector<16xi32>
        %lt3A_470 = arith.constant -429496832 : i32
        %lt3A_471 = vector.broadcast %lt3A_470 : i32 to vector<16xi32>
        %lt3A_472 = arith.cmpi ult, %xor3A_469, %lt3A_471 : vector<16xi32>
        %get3A_473 = arith.index_cast %add3A_250 : i32 to index
        %get3A_474 = tpu.vector_load %arg4[%get3A_473] {strides = array<i32>} : memref<4096xf32, #tpu.memory_space<vmem>>, vector<16xf32>,
        %get3A_475 = vector.shape_cast %get3A_474 : vector<16xf32> to vector<16xf32>
        %div3A_476 = arith.constant 0.899999976 : f32
        %div3A_477 = vector.broadcast %div3A_476 : f32 to vector<16xf32>
        %div3A_478 = arith.divf %get3A_475, %div3A_477 : vector<16xf32>
        %jit3A_479 = arith.constant 0.000000e+00 : f32
        %broadcast_in_dim3A_480 = vector.broadcast %jit3A_479 : f32 to vector<16xf32>
        %select_n3A_481 = arith.select %lt3A_472, %div3A_478, %broadcast_in_dim3A_480 : vector<16xi1>, vector<16xf32>
        %swap3A_482 = arith.index_cast %add3A_250 : i32 to index
        %swap3A_483 = tpu.vector_load %arg5[%swap3A_482] {strides = array<i32>} : memref<4096xf32, #tpu.memory_space<vmem>>, vector<16xf32>,
        %swap3A_484 = vector.shape_cast %swap3A_483 : vector<16xf32> to vector<16xf32>
        %swap3A_485 = vector.shape_cast %select_n3A_481 : vector<16xf32> to vector<16xf32>
        tpu.vector_store %arg5[%swap3A_482], %swap3A_485 {strides = array<i32>} : memref<4096xf32, #tpu.memory_space<vmem>>, vector<16xf32>,
        %mul3A_486 = arith.constant 64 : i32
        %mul3A_487 = arith.muli %scan3A_18, %mul3A_486 : i32
        %add3A_488 = arith.constant 32 : i32
        %add3A_489 = arith.addi %mul3A_487, %add3A_488 : i32
        %add3A_490 = arith.addi %add3A_11, %add3A_489 : i32
        %add3A_491 = vector.broadcast %add3A_490 : i32 to vector<16xi32>
        %add3A_492 = arith.addi %iota3A, %add3A_491 : vector<16xi32>
        %broadcast_in_dim3A_493 = arith.constant 0 : i32
        %broadcast_in_dim3A_494 = vector.broadcast %broadcast_in_dim3A_493 : i32 to vector<16xi32>
        %add3A_495 = arith.constant 42 : i32
        %add3A_496 = vector.broadcast %add3A_495 : i32 to vector<16xi32>
        %add3A_497 = arith.addi %add3A_492, %add3A_496 : vector<16xi32>
        %add3A_498 = arith.addi %broadcast_in_dim3A_494, %add3A_497 : vector<16xi32>
        %shift_left3A_499 = arith.constant 13 : i32
        %shift_left3A_500 = vector.broadcast %shift_left3A_499 : i32 to vector<16xi32>
        %shift_left3A_501 = arith.shli %add3A_497, %shift_left3A_500 : vector<16xi32>
        %shift_right_logical3A_502 = arith.constant 19 : i32
        %shift_right_logical3A_503 = vector.broadcast %shift_right_logical3A_502 : i32 to vector<16xi32>
        %shift_right_logical3A_504 = arith.shrui %add3A_497, %shift_right_logical3A_503 : vector<16xi32>
        %or3A_505 = arith.ori %shift_left3A_501, %shift_right_logical3A_504 : vector<16xi32>
        %xor3A_506 = arith.xori %or3A_505, %add3A_498 : vector<16xi32>
        %add3A_507 = arith.addi %add3A_498, %xor3A_506 : vector<16xi32>
        %shift_left3A_508 = arith.constant 15 : i32
        %shift_left3A_509 = vector.broadcast %shift_left3A_508 : i32 to vector<16xi32>
        %shift_left3A_510 = arith.shli %xor3A_506, %shift_left3A_509 : vector<16xi32>
        %shift_right_logical3A_511 = arith.constant 17 : i32
        %shift_right_logical3A_512 = vector.broadcast %shift_right_logical3A_511 : i32 to vector<16xi32>
        %shift_right_logical3A_513 = arith.shrui %xor3A_506, %shift_right_logical3A_512 : vector<16xi32>
        %or3A_514 = arith.ori %shift_left3A_510, %shift_right_logical3A_513 : vector<16xi32>
        %xor3A_515 = arith.xori %or3A_514, %add3A_507 : vector<16xi32>
        %add3A_516 = arith.addi %add3A_507, %xor3A_515 : vector<16xi32>
        %shift_left3A_517 = arith.constant 26 : i32
        %shift_left3A_518 = vector.broadcast %shift_left3A_517 : i32 to vector<16xi32>
        %shift_left3A_519 = arith.shli %xor3A_515, %shift_left3A_518 : vector<16xi32>
        %shift_right_logical3A_520 = arith.constant 6 : i32
        %shift_right_logical3A_521 = vector.broadcast %shift_right_logical3A_520 : i32 to vector<16xi32>
        %shift_right_logical3A_522 = arith.shrui %xor3A_515, %shift_right_logical3A_521 : vector<16xi32>
        %or3A_523 = arith.ori %shift_left3A_519, %shift_right_logical3A_522 : vector<16xi32>
        %xor3A_524 = arith.xori %or3A_523, %add3A_516 : vector<16xi32>
        %add3A_525 = arith.addi %add3A_516, %xor3A_524 : vector<16xi32>
        %shift_left3A_526 = arith.constant 6 : i32
        %shift_left3A_527 = vector.broadcast %shift_left3A_526 : i32 to vector<16xi32>
        %shift_left3A_528 = arith.shli %xor3A_524, %shift_left3A_527 : vector<16xi32>
        %shift_right_logical3A_529 = arith.constant 26 : i32
        %shift_right_logical3A_530 = vector.broadcast %shift_right_logical3A_529 : i32 to vector<16xi32>
        %shift_right_logical3A_531 = arith.shrui %xor3A_524, %shift_right_logical3A_530 : vector<16xi32>
        %or3A_532 = arith.ori %shift_left3A_528, %shift_right_logical3A_531 : vector<16xi32>
        %xor3A_533 = arith.xori %or3A_532, %add3A_525 : vector<16xi32>
        %add3A_534 = arith.constant 42 : i32
        %add3A_535 = vector.broadcast %add3A_534 : i32 to vector<16xi32>
        %add3A_536 = arith.addi %add3A_525, %add3A_535 : vector<16xi32>
        %add3A_537 = arith.constant 466689009 : i32
        %add3A_538 = vector.broadcast %add3A_537 : i32 to vector<16xi32>
        %add3A_539 = arith.addi %xor3A_533, %add3A_538 : vector<16xi32>
        %add3A_540 = arith.addi %add3A_536, %add3A_539 : vector<16xi32>
        %shift_left3A_541 = arith.constant 17 : i32
        %shift_left3A_542 = vector.broadcast %shift_left3A_541 : i32 to vector<16xi32>
        %shift_left3A_543 = arith.shli %add3A_539, %shift_left3A_542 : vector<16xi32>
        %shift_right_logical3A_544 = arith.constant 15 : i32
        %shift_right_logical3A_545 = vector.broadcast %shift_right_logical3A_544 : i32 to vector<16xi32>
        %shift_right_logical3A_546 = arith.shrui %add3A_539, %shift_right_logical3A_545 : vector<16xi32>
        %or3A_547 = arith.ori %shift_left3A_543, %shift_right_logical3A_546 : vector<16xi32>
        %xor3A_548 = arith.xori %or3A_547, %add3A_540 : vector<16xi32>
        %add3A_549 = arith.addi %add3A_540, %xor3A_548 : vector<16xi32>
        %shift_left3A_550 = arith.constant 29 : i32
        %shift_left3A_551 = vector.broadcast %shift_left3A_550 : i32 to vector<16xi32>
        %shift_left3A_552 = arith.shli %xor3A_548, %shift_left3A_551 : vector<16xi32>
        %shift_right_logical3A_553 = arith.constant 3 : i32
        %shift_right_logical3A_554 = vector.broadcast %shift_right_logical3A_553 : i32 to vector<16xi32>
        %shift_right_logical3A_555 = arith.shrui %xor3A_548, %shift_right_logical3A_554 : vector<16xi32>
        %or3A_556 = arith.ori %shift_left3A_552, %shift_right_logical3A_555 : vector<16xi32>
        %xor3A_557 = arith.xori %or3A_556, %add3A_549 : vector<16xi32>
        %add3A_558 = arith.addi %add3A_549, %xor3A_557 : vector<16xi32>
        %shift_left3A_559 = arith.constant 16 : i32
        %shift_left3A_560 = vector.broadcast %shift_left3A_559 : i32 to vector<16xi32>
        %shift_left3A_561 = arith.shli %xor3A_557, %shift_left3A_560 : vector<16xi32>
        %shift_right_logical3A_562 = arith.constant 16 : i32
        %shift_right_logical3A_563 = vector.broadcast %shift_right_logical3A_562 : i32 to vector<16xi32>
        %shift_right_logical3A_564 = arith.shrui %xor3A_557, %shift_right_logical3A_563 : vector<16xi32>
        %or3A_565 = arith.ori %shift_left3A_561, %shift_right_logical3A_564 : vector<16xi32>
        %xor3A_566 = arith.xori %or3A_565, %add3A_558 : vector<16xi32>
        %add3A_567 = arith.addi %add3A_558, %xor3A_566 : vector<16xi32>
        %shift_left3A_568 = arith.constant 24 : i32
        %shift_left3A_569 = vector.broadcast %shift_left3A_568 : i32 to vector<16xi32>
        %shift_left3A_570 = arith.shli %xor3A_566, %shift_left3A_569 : vector<16xi32>
        %shift_right_logical3A_571 = arith.constant 8 : i32
        %shift_right_logical3A_572 = vector.broadcast %shift_right_logical3A_571 : i32 to vector<16xi32>
        %shift_right_logical3A_573 = arith.shrui %xor3A_566, %shift_right_logical3A_572 : vector<16xi32>
        %or3A_574 = arith.ori %shift_left3A_570, %shift_right_logical3A_573 : vector<16xi32>
        %xor3A_575 = arith.xori %or3A_574, %add3A_567 : vector<16xi32>
        %add3A_576 = arith.constant 466689008 : i32
        %add3A_577 = vector.broadcast %add3A_576 : i32 to vector<16xi32>
        %add3A_578 = arith.addi %add3A_567, %add3A_577 : vector<16xi32>
        %add3A_579 = arith.constant 2 : i32
        %add3A_580 = vector.broadcast %add3A_579 : i32 to vector<16xi32>
        %add3A_581 = arith.addi %xor3A_575, %add3A_580 : vector<16xi32>
        %add3A_582 = arith.addi %add3A_578, %add3A_581 : vector<16xi32>
        %shift_left3A_583 = arith.constant 13 : i32
        %shift_left3A_584 = vector.broadcast %shift_left3A_583 : i32 to vector<16xi32>
        %shift_left3A_585 = arith.shli %add3A_581, %shift_left3A_584 : vector<16xi32>
        %shift_right_logical3A_586 = arith.constant 19 : i32
        %shift_right_logical3A_587 = vector.broadcast %shift_right_logical3A_586 : i32 to vector<16xi32>
        %shift_right_logical3A_588 = arith.shrui %add3A_581, %shift_right_logical3A_587 : vector<16xi32>
        %or3A_589 = arith.ori %shift_left3A_585, %shift_right_logical3A_588 : vector<16xi32>
        %xor3A_590 = arith.xori %or3A_589, %add3A_582 : vector<16xi32>
        %add3A_591 = arith.addi %add3A_582, %xor3A_590 : vector<16xi32>
        %shift_left3A_592 = arith.constant 15 : i32
        %shift_left3A_593 = vector.broadcast %shift_left3A_592 : i32 to vector<16xi32>
        %shift_left3A_594 = arith.shli %xor3A_590, %shift_left3A_593 : vector<16xi32>
        %shift_right_logical3A_595 = arith.constant 17 : i32
        %shift_right_logical3A_596 = vector.broadcast %shift_right_logical3A_595 : i32 to vector<16xi32>
        %shift_right_logical3A_597 = arith.shrui %xor3A_590, %shift_right_logical3A_596 : vector<16xi32>
        %or3A_598 = arith.ori %shift_left3A_594, %shift_right_logical3A_597 : vector<16xi32>
        %xor3A_599 = arith.xori %or3A_598, %add3A_591 : vector<16xi32>
        %add3A_600 = arith.addi %add3A_591, %xor3A_599 : vector<16xi32>
        %shift_left3A_601 = arith.constant 26 : i32
        %shift_left3A_602 = vector.broadcast %shift_left3A_601 : i32 to vector<16xi32>
        %shift_left3A_603 = arith.shli %xor3A_599, %shift_left3A_602 : vector<16xi32>
        %shift_right_logical3A_604 = arith.constant 6 : i32
        %shift_right_logical3A_605 = vector.broadcast %shift_right_logical3A_604 : i32 to vector<16xi32>
        %shift_right_logical3A_606 = arith.shrui %xor3A_599, %shift_right_logical3A_605 : vector<16xi32>
        %or3A_607 = arith.ori %shift_left3A_603, %shift_right_logical3A_606 : vector<16xi32>
        %xor3A_608 = arith.xori %or3A_607, %add3A_600 : vector<16xi32>
        %add3A_609 = arith.addi %add3A_600, %xor3A_608 : vector<16xi32>
        %shift_left3A_610 = arith.constant 6 : i32
        %shift_left3A_611 = vector.broadcast %shift_left3A_610 : i32 to vector<16xi32>
        %shift_left3A_612 = arith.shli %xor3A_608, %shift_left3A_611 : vector<16xi32>
        %shift_right_logical3A_613 = arith.constant 26 : i32
        %shift_right_logical3A_614 = vector.broadcast %shift_right_logical3A_613 : i32 to vector<16xi32>
        %shift_right_logical3A_615 = arith.shrui %xor3A_608, %shift_right_logical3A_614 : vector<16xi32>
        %or3A_616 = arith.ori %shift_left3A_612, %shift_right_logical3A_615 : vector<16xi32>
        %xor3A_617 = arith.xori %or3A_616, %add3A_609 : vector<16xi32>
        %add3A_618 = arith.constant 0 : i32
        %add3A_619 = vector.broadcast %add3A_618 : i32 to vector<16xi32>
        %add3A_620 = arith.addi %add3A_609, %add3A_619 : vector<16xi32>
        %add3A_621 = arith.constant 45 : i32
        %add3A_622 = vector.broadcast %add3A_621 : i32 to vector<16xi32>
        %add3A_623 = arith.addi %xor3A_617, %add3A_622 : vector<16xi32>
        %add3A_624 = arith.addi %add3A_620, %add3A_623 : vector<16xi32>
        %shift_left3A_625 = arith.constant 17 : i32
        %shift_left3A_626 = vector.broadcast %shift_left3A_625 : i32 to vector<16xi32>
        %shift_left3A_627 = arith.shli %add3A_623, %shift_left3A_626 : vector<16xi32>
        %shift_right_logical3A_628 = arith.constant 15 : i32
        %shift_right_logical3A_629 = vector.broadcast %shift_right_logical3A_628 : i32 to vector<16xi32>
        %shift_right_logical3A_630 = arith.shrui %add3A_623, %shift_right_logical3A_629 : vector<16xi32>
        %or3A_631 = arith.ori %shift_left3A_627, %shift_right_logical3A_630 : vector<16xi32>
        %xor3A_632 = arith.xori %or3A_631, %add3A_624 : vector<16xi32>
        %add3A_633 = arith.addi %add3A_624, %xor3A_632 : vector<16xi32>
        %shift_left3A_634 = arith.constant 29 : i32
        %shift_left3A_635 = vector.broadcast %shift_left3A_634 : i32 to vector<16xi32>
        %shift_left3A_636 = arith.shli %xor3A_632, %shift_left3A_635 : vector<16xi32>
        %shift_right_logical3A_637 = arith.constant 3 : i32
        %shift_right_logical3A_638 = vector.broadcast %shift_right_logical3A_637 : i32 to vector<16xi32>
        %shift_right_logical3A_639 = arith.shrui %xor3A_632, %shift_right_logical3A_638 : vector<16xi32>
        %or3A_640 = arith.ori %shift_left3A_636, %shift_right_logical3A_639 : vector<16xi32>
        %xor3A_641 = arith.xori %or3A_640, %add3A_633 : vector<16xi32>
        %add3A_642 = arith.addi %add3A_633, %xor3A_641 : vector<16xi32>
        %shift_left3A_643 = arith.constant 16 : i32
        %shift_left3A_644 = vector.broadcast %shift_left3A_643 : i32 to vector<16xi32>
        %shift_left3A_645 = arith.shli %xor3A_641, %shift_left3A_644 : vector<16xi32>
        %shift_right_logical3A_646 = arith.constant 16 : i32
        %shift_right_logical3A_647 = vector.broadcast %shift_right_logical3A_646 : i32 to vector<16xi32>
        %shift_right_logical3A_648 = arith.shrui %xor3A_641, %shift_right_logical3A_647 : vector<16xi32>
        %or3A_649 = arith.ori %shift_left3A_645, %shift_right_logical3A_648 : vector<16xi32>
        %xor3A_650 = arith.xori %or3A_649, %add3A_642 : vector<16xi32>
        %add3A_651 = arith.addi %add3A_642, %xor3A_650 : vector<16xi32>
        %shift_left3A_652 = arith.constant 24 : i32
        %shift_left3A_653 = vector.broadcast %shift_left3A_652 : i32 to vector<16xi32>
        %shift_left3A_654 = arith.shli %xor3A_650, %shift_left3A_653 : vector<16xi32>
        %shift_right_logical3A_655 = arith.constant 8 : i32
        %shift_right_logical3A_656 = vector.broadcast %shift_right_logical3A_655 : i32 to vector<16xi32>
        %shift_right_logical3A_657 = arith.shrui %xor3A_650, %shift_right_logical3A_656 : vector<16xi32>
        %or3A_658 = arith.ori %shift_left3A_654, %shift_right_logical3A_657 : vector<16xi32>
        %xor3A_659 = arith.xori %or3A_658, %add3A_651 : vector<16xi32>
        %add3A_660 = arith.constant 42 : i32
        %add3A_661 = vector.broadcast %add3A_660 : i32 to vector<16xi32>
        %add3A_662 = arith.addi %add3A_651, %add3A_661 : vector<16xi32>
        %add3A_663 = arith.constant 466689012 : i32
        %add3A_664 = vector.broadcast %add3A_663 : i32 to vector<16xi32>
        %add3A_665 = arith.addi %xor3A_659, %add3A_664 : vector<16xi32>
        %add3A_666 = arith.addi %add3A_662, %add3A_665 : vector<16xi32>
        %shift_left3A_667 = arith.constant 13 : i32
        %shift_left3A_668 = vector.broadcast %shift_left3A_667 : i32 to vector<16xi32>
        %shift_left3A_669 = arith.shli %add3A_665, %shift_left3A_668 : vector<16xi32>
        %shift_right_logical3A_670 = arith.constant 19 : i32
        %shift_right_logical3A_671 = vector.broadcast %shift_right_logical3A_670 : i32 to vector<16xi32>
        %shift_right_logical3A_672 = arith.shrui %add3A_665, %shift_right_logical3A_671 : vector<16xi32>
        %or3A_673 = arith.ori %shift_left3A_669, %shift_right_logical3A_672 : vector<16xi32>
        %xor3A_674 = arith.xori %or3A_673, %add3A_666 : vector<16xi32>
        %add3A_675 = arith.addi %add3A_666, %xor3A_674 : vector<16xi32>
        %shift_left3A_676 = arith.constant 15 : i32
        %shift_left3A_677 = vector.broadcast %shift_left3A_676 : i32 to vector<16xi32>
        %shift_left3A_678 = arith.shli %xor3A_674, %shift_left3A_677 : vector<16xi32>
        %shift_right_logical3A_679 = arith.constant 17 : i32
        %shift_right_logical3A_680 = vector.broadcast %shift_right_logical3A_679 : i32 to vector<16xi32>
        %shift_right_logical3A_681 = arith.shrui %xor3A_674, %shift_right_logical3A_680 : vector<16xi32>
        %or3A_682 = arith.ori %shift_left3A_678, %shift_right_logical3A_681 : vector<16xi32>
        %xor3A_683 = arith.xori %or3A_682, %add3A_675 : vector<16xi32>
        %add3A_684 = arith.addi %add3A_675, %xor3A_683 : vector<16xi32>
        %shift_left3A_685 = arith.constant 26 : i32
        %shift_left3A_686 = vector.broadcast %shift_left3A_685 : i32 to vector<16xi32>
        %shift_left3A_687 = arith.shli %xor3A_683, %shift_left3A_686 : vector<16xi32>
        %shift_right_logical3A_688 = arith.constant 6 : i32
        %shift_right_logical3A_689 = vector.broadcast %shift_right_logical3A_688 : i32 to vector<16xi32>
        %shift_right_logical3A_690 = arith.shrui %xor3A_683, %shift_right_logical3A_689 : vector<16xi32>
        %or3A_691 = arith.ori %shift_left3A_687, %shift_right_logical3A_690 : vector<16xi32>
        %xor3A_692 = arith.xori %or3A_691, %add3A_684 : vector<16xi32>
        %add3A_693 = arith.addi %add3A_684, %xor3A_692 : vector<16xi32>
        %shift_left3A_694 = arith.constant 6 : i32
        %shift_left3A_695 = vector.broadcast %shift_left3A_694 : i32 to vector<16xi32>
        %shift_left3A_696 = arith.shli %xor3A_692, %shift_left3A_695 : vector<16xi32>
        %shift_right_logical3A_697 = arith.constant 26 : i32
        %shift_right_logical3A_698 = vector.broadcast %shift_right_logical3A_697 : i32 to vector<16xi32>
        %shift_right_logical3A_699 = arith.shrui %xor3A_692, %shift_right_logical3A_698 : vector<16xi32>
        %or3A_700 = arith.ori %shift_left3A_696, %shift_right_logical3A_699 : vector<16xi32>
        %xor3A_701 = arith.xori %or3A_700, %add3A_693 : vector<16xi32>
        %add3A_702 = arith.constant 466689008 : i32
        %add3A_703 = vector.broadcast %add3A_702 : i32 to vector<16xi32>
        %add3A_704 = arith.addi %add3A_693, %add3A_703 : vector<16xi32>
        %add3A_705 = arith.constant 5 : i32
        %add3A_706 = vector.broadcast %add3A_705 : i32 to vector<16xi32>
        %add3A_707 = arith.addi %xor3A_701, %add3A_706 : vector<16xi32>
        %xor3A_708 = arith.xori %add3A_704, %add3A_707 : vector<16xi32>
        %lt3A_709 = arith.constant -429496832 : i32
        %lt3A_710 = vector.broadcast %lt3A_709 : i32 to vector<16xi32>
        %lt3A_711 = arith.cmpi ult, %xor3A_708, %lt3A_710 : vector<16xi32>
        %get3A_712 = arith.index_cast %add3A_489 : i32 to index
        %get3A_713 = tpu.vector_load %arg4[%get3A_712] {strides = array<i32>} : memref<4096xf32, #tpu.memory_space<vmem>>, vector<16xf32>,
        %get3A_714 = vector.shape_cast %get3A_713 : vector<16xf32> to vector<16xf32>
        %div3A_715 = arith.constant 0.899999976 : f32
        %div3A_716 = vector.broadcast %div3A_715 : f32 to vector<16xf32>
        %div3A_717 = arith.divf %get3A_714, %div3A_716 : vector<16xf32>
        %jit3A_718 = arith.constant 0.000000e+00 : f32
        %broadcast_in_dim3A_719 = vector.broadcast %jit3A_718 : f32 to vector<16xf32>
        %select_n3A_720 = arith.select %lt3A_711, %div3A_717, %broadcast_in_dim3A_719 : vector<16xi1>, vector<16xf32>
        %swap3A_721 = arith.index_cast %add3A_489 : i32 to index
        %swap3A_722 = tpu.vector_load %arg5[%swap3A_721] {strides = array<i32>} : memref<4096xf32, #tpu.memory_space<vmem>>, vector<16xf32>,
        %swap3A_723 = vector.shape_cast %swap3A_722 : vector<16xf32> to vector<16xf32>
        %swap3A_724 = vector.shape_cast %select_n3A_720 : vector<16xf32> to vector<16xf32>
        tpu.vector_store %arg5[%swap3A_721], %swap3A_724 {strides = array<i32>} : memref<4096xf32, #tpu.memory_space<vmem>>, vector<16xf32>,
        %mul3A_725 = arith.constant 64 : i32
        %mul3A_726 = arith.muli %scan3A_18, %mul3A_725 : i32
        %add3A_727 = arith.constant 48 : i32
        %add3A_728 = arith.addi %mul3A_726, %add3A_727 : i32
        %add3A_729 = arith.addi %add3A_11, %add3A_728 : i32
        %add3A_730 = vector.broadcast %add3A_729 : i32 to vector<16xi32>
        %add3A_731 = arith.addi %iota3A, %add3A_730 : vector<16xi32>
        %broadcast_in_dim3A_732 = arith.constant 0 : i32
        %broadcast_in_dim3A_733 = vector.broadcast %broadcast_in_dim3A_732 : i32 to vector<16xi32>
        %add3A_734 = arith.constant 42 : i32
        %add3A_735 = vector.broadcast %add3A_734 : i32 to vector<16xi32>
        %add3A_736 = arith.addi %add3A_731, %add3A_735 : vector<16xi32>
        %add3A_737 = arith.addi %broadcast_in_dim3A_733, %add3A_736 : vector<16xi32>
        %shift_left3A_738 = arith.constant 13 : i32
        %shift_left3A_739 = vector.broadcast %shift_left3A_738 : i32 to vector<16xi32>
        %shift_left3A_740 = arith.shli %add3A_736, %shift_left3A_739 : vector<16xi32>
        %shift_right_logical3A_741 = arith.constant 19 : i32
        %shift_right_logical3A_742 = vector.broadcast %shift_right_logical3A_741 : i32 to vector<16xi32>
        %shift_right_logical3A_743 = arith.shrui %add3A_736, %shift_right_logical3A_742 : vector<16xi32>
        %or3A_744 = arith.ori %shift_left3A_740, %shift_right_logical3A_743 : vector<16xi32>
        %xor3A_745 = arith.xori %or3A_744, %add3A_737 : vector<16xi32>
        %add3A_746 = arith.addi %add3A_737, %xor3A_745 : vector<16xi32>
        %shift_left3A_747 = arith.constant 15 : i32
        %shift_left3A_748 = vector.broadcast %shift_left3A_747 : i32 to vector<16xi32>
        %shift_left3A_749 = arith.shli %xor3A_745, %shift_left3A_748 : vector<16xi32>
        %shift_right_logical3A_750 = arith.constant 17 : i32
        %shift_right_logical3A_751 = vector.broadcast %shift_right_logical3A_750 : i32 to vector<16xi32>
        %shift_right_logical3A_752 = arith.shrui %xor3A_745, %shift_right_logical3A_751 : vector<16xi32>
        %or3A_753 = arith.ori %shift_left3A_749, %shift_right_logical3A_752 : vector<16xi32>
        %xor3A_754 = arith.xori %or3A_753, %add3A_746 : vector<16xi32>
        %add3A_755 = arith.addi %add3A_746, %xor3A_754 : vector<16xi32>
        %shift_left3A_756 = arith.constant 26 : i32
        %shift_left3A_757 = vector.broadcast %shift_left3A_756 : i32 to vector<16xi32>
        %shift_left3A_758 = arith.shli %xor3A_754, %shift_left3A_757 : vector<16xi32>
        %shift_right_logical3A_759 = arith.constant 6 : i32
        %shift_right_logical3A_760 = vector.broadcast %shift_right_logical3A_759 : i32 to vector<16xi32>
        %shift_right_logical3A_761 = arith.shrui %xor3A_754, %shift_right_logical3A_760 : vector<16xi32>
        %or3A_762 = arith.ori %shift_left3A_758, %shift_right_logical3A_761 : vector<16xi32>
        %xor3A_763 = arith.xori %or3A_762, %add3A_755 : vector<16xi32>
        %add3A_764 = arith.addi %add3A_755, %xor3A_763 : vector<16xi32>
        %shift_left3A_765 = arith.constant 6 : i32
        %shift_left3A_766 = vector.broadcast %shift_left3A_765 : i32 to vector<16xi32>
        %shift_left3A_767 = arith.shli %xor3A_763, %shift_left3A_766 : vector<16xi32>
        %shift_right_logical3A_768 = arith.constant 26 : i32
        %shift_right_logical3A_769 = vector.broadcast %shift_right_logical3A_768 : i32 to vector<16xi32>
        %shift_right_logical3A_770 = arith.shrui %xor3A_763, %shift_right_logical3A_769 : vector<16xi32>
        %or3A_771 = arith.ori %shift_left3A_767, %shift_right_logical3A_770 : vector<16xi32>
        %xor3A_772 = arith.xori %or3A_771, %add3A_764 : vector<16xi32>
        %add3A_773 = arith.constant 42 : i32
        %add3A_774 = vector.broadcast %add3A_773 : i32 to vector<16xi32>
        %add3A_775 = arith.addi %add3A_764, %add3A_774 : vector<16xi32>
        %add3A_776 = arith.constant 466689009 : i32
        %add3A_777 = vector.broadcast %add3A_776 : i32 to vector<16xi32>
        %add3A_778 = arith.addi %xor3A_772, %add3A_777 : vector<16xi32>
        %add3A_779 = arith.addi %add3A_775, %add3A_778 : vector<16xi32>
        %shift_left3A_780 = arith.constant 17 : i32
        %shift_left3A_781 = vector.broadcast %shift_left3A_780 : i32 to vector<16xi32>
        %shift_left3A_782 = arith.shli %add3A_778, %shift_left3A_781 : vector<16xi32>
        %shift_right_logical3A_783 = arith.constant 15 : i32
        %shift_right_logical3A_784 = vector.broadcast %shift_right_logical3A_783 : i32 to vector<16xi32>
        %shift_right_logical3A_785 = arith.shrui %add3A_778, %shift_right_logical3A_784 : vector<16xi32>
        %or3A_786 = arith.ori %shift_left3A_782, %shift_right_logical3A_785 : vector<16xi32>
        %xor3A_787 = arith.xori %or3A_786, %add3A_779 : vector<16xi32>
        %add3A_788 = arith.addi %add3A_779, %xor3A_787 : vector<16xi32>
        %shift_left3A_789 = arith.constant 29 : i32
        %shift_left3A_790 = vector.broadcast %shift_left3A_789 : i32 to vector<16xi32>
        %shift_left3A_791 = arith.shli %xor3A_787, %shift_left3A_790 : vector<16xi32>
        %shift_right_logical3A_792 = arith.constant 3 : i32
        %shift_right_logical3A_793 = vector.broadcast %shift_right_logical3A_792 : i32 to vector<16xi32>
        %shift_right_logical3A_794 = arith.shrui %xor3A_787, %shift_right_logical3A_793 : vector<16xi32>
        %or3A_795 = arith.ori %shift_left3A_791, %shift_right_logical3A_794 : vector<16xi32>
        %xor3A_796 = arith.xori %or3A_795, %add3A_788 : vector<16xi32>
        %add3A_797 = arith.addi %add3A_788, %xor3A_796 : vector<16xi32>
        %shift_left3A_798 = arith.constant 16 : i32
        %shift_left3A_799 = vector.broadcast %shift_left3A_798 : i32 to vector<16xi32>
        %shift_left3A_800 = arith.shli %xor3A_796, %shift_left3A_799 : vector<16xi32>
        %shift_right_logical3A_801 = arith.constant 16 : i32
        %shift_right_logical3A_802 = vector.broadcast %shift_right_logical3A_801 : i32 to vector<16xi32>
        %shift_right_logical3A_803 = arith.shrui %xor3A_796, %shift_right_logical3A_802 : vector<16xi32>
        %or3A_804 = arith.ori %shift_left3A_800, %shift_right_logical3A_803 : vector<16xi32>
        %xor3A_805 = arith.xori %or3A_804, %add3A_797 : vector<16xi32>
        %add3A_806 = arith.addi %add3A_797, %xor3A_805 : vector<16xi32>
        %shift_left3A_807 = arith.constant 24 : i32
        %shift_left3A_808 = vector.broadcast %shift_left3A_807 : i32 to vector<16xi32>
        %shift_left3A_809 = arith.shli %xor3A_805, %shift_left3A_808 : vector<16xi32>
        %shift_right_logical3A_810 = arith.constant 8 : i32
        %shift_right_logical3A_811 = vector.broadcast %shift_right_logical3A_810 : i32 to vector<16xi32>
        %shift_right_logical3A_812 = arith.shrui %xor3A_805, %shift_right_logical3A_811 : vector<16xi32>
        %or3A_813 = arith.ori %shift_left3A_809, %shift_right_logical3A_812 : vector<16xi32>
        %xor3A_814 = arith.xori %or3A_813, %add3A_806 : vector<16xi32>
        %add3A_815 = arith.constant 466689008 : i32
        %add3A_816 = vector.broadcast %add3A_815 : i32 to vector<16xi32>
        %add3A_817 = arith.addi %add3A_806, %add3A_816 : vector<16xi32>
        %add3A_818 = arith.constant 2 : i32
        %add3A_819 = vector.broadcast %add3A_818 : i32 to vector<16xi32>
        %add3A_820 = arith.addi %xor3A_814, %add3A_819 : vector<16xi32>
        %add3A_821 = arith.addi %add3A_817, %add3A_820 : vector<16xi32>
        %shift_left3A_822 = arith.constant 13 : i32
        %shift_left3A_823 = vector.broadcast %shift_left3A_822 : i32 to vector<16xi32>
        %shift_left3A_824 = arith.shli %add3A_820, %shift_left3A_823 : vector<16xi32>
        %shift_right_logical3A_825 = arith.constant 19 : i32
        %shift_right_logical3A_826 = vector.broadcast %shift_right_logical3A_825 : i32 to vector<16xi32>
        %shift_right_logical3A_827 = arith.shrui %add3A_820, %shift_right_logical3A_826 : vector<16xi32>
        %or3A_828 = arith.ori %shift_left3A_824, %shift_right_logical3A_827 : vector<16xi32>
        %xor3A_829 = arith.xori %or3A_828, %add3A_821 : vector<16xi32>
        %add3A_830 = arith.addi %add3A_821, %xor3A_829 : vector<16xi32>
        %shift_left3A_831 = arith.constant 15 : i32
        %shift_left3A_832 = vector.broadcast %shift_left3A_831 : i32 to vector<16xi32>
        %shift_left3A_833 = arith.shli %xor3A_829, %shift_left3A_832 : vector<16xi32>
        %shift_right_logical3A_834 = arith.constant 17 : i32
        %shift_right_logical3A_835 = vector.broadcast %shift_right_logical3A_834 : i32 to vector<16xi32>
        %shift_right_logical3A_836 = arith.shrui %xor3A_829, %shift_right_logical3A_835 : vector<16xi32>
        %or3A_837 = arith.ori %shift_left3A_833, %shift_right_logical3A_836 : vector<16xi32>
        %xor3A_838 = arith.xori %or3A_837, %add3A_830 : vector<16xi32>
        %add3A_839 = arith.addi %add3A_830, %xor3A_838 : vector<16xi32>
        %shift_left3A_840 = arith.constant 26 : i32
        %shift_left3A_841 = vector.broadcast %shift_left3A_840 : i32 to vector<16xi32>
        %shift_left3A_842 = arith.shli %xor3A_838, %shift_left3A_841 : vector<16xi32>
        %shift_right_logical3A_843 = arith.constant 6 : i32
        %shift_right_logical3A_844 = vector.broadcast %shift_right_logical3A_843 : i32 to vector<16xi32>
        %shift_right_logical3A_845 = arith.shrui %xor3A_838, %shift_right_logical3A_844 : vector<16xi32>
        %or3A_846 = arith.ori %shift_left3A_842, %shift_right_logical3A_845 : vector<16xi32>
        %xor3A_847 = arith.xori %or3A_846, %add3A_839 : vector<16xi32>
        %add3A_848 = arith.addi %add3A_839, %xor3A_847 : vector<16xi32>
        %shift_left3A_849 = arith.constant 6 : i32
        %shift_left3A_850 = vector.broadcast %shift_left3A_849 : i32 to vector<16xi32>
        %shift_left3A_851 = arith.shli %xor3A_847, %shift_left3A_850 : vector<16xi32>
        %shift_right_logical3A_852 = arith.constant 26 : i32
        %shift_right_logical3A_853 = vector.broadcast %shift_right_logical3A_852 : i32 to vector<16xi32>
        %shift_right_logical3A_854 = arith.shrui %xor3A_847, %shift_right_logical3A_853 : vector<16xi32>
        %or3A_855 = arith.ori %shift_left3A_851, %shift_right_logical3A_854 : vector<16xi32>
        %xor3A_856 = arith.xori %or3A_855, %add3A_848 : vector<16xi32>
        %add3A_857 = arith.constant 0 : i32
        %add3A_858 = vector.broadcast %add3A_857 : i32 to vector<16xi32>
        %add3A_859 = arith.addi %add3A_848, %add3A_858 : vector<16xi32>
        %add3A_860 = arith.constant 45 : i32
        %add3A_861 = vector.broadcast %add3A_860 : i32 to vector<16xi32>
        %add3A_862 = arith.addi %xor3A_856, %add3A_861 : vector<16xi32>
        %add3A_863 = arith.addi %add3A_859, %add3A_862 : vector<16xi32>
        %shift_left3A_864 = arith.constant 17 : i32
        %shift_left3A_865 = vector.broadcast %shift_left3A_864 : i32 to vector<16xi32>
        %shift_left3A_866 = arith.shli %add3A_862, %shift_left3A_865 : vector<16xi32>
        %shift_right_logical3A_867 = arith.constant 15 : i32
        %shift_right_logical3A_868 = vector.broadcast %shift_right_logical3A_867 : i32 to vector<16xi32>
        %shift_right_logical3A_869 = arith.shrui %add3A_862, %shift_right_logical3A_868 : vector<16xi32>
        %or3A_870 = arith.ori %shift_left3A_866, %shift_right_logical3A_869 : vector<16xi32>
        %xor3A_871 = arith.xori %or3A_870, %add3A_863 : vector<16xi32>
        %add3A_872 = arith.addi %add3A_863, %xor3A_871 : vector<16xi32>
        %shift_left3A_873 = arith.constant 29 : i32
        %shift_left3A_874 = vector.broadcast %shift_left3A_873 : i32 to vector<16xi32>
        %shift_left3A_875 = arith.shli %xor3A_871, %shift_left3A_874 : vector<16xi32>
        %shift_right_logical3A_876 = arith.constant 3 : i32
        %shift_right_logical3A_877 = vector.broadcast %shift_right_logical3A_876 : i32 to vector<16xi32>
        %shift_right_logical3A_878 = arith.shrui %xor3A_871, %shift_right_logical3A_877 : vector<16xi32>
        %or3A_879 = arith.ori %shift_left3A_875, %shift_right_logical3A_878 : vector<16xi32>
        %xor3A_880 = arith.xori %or3A_879, %add3A_872 : vector<16xi32>
        %add3A_881 = arith.addi %add3A_872, %xor3A_880 : vector<16xi32>
        %shift_left3A_882 = arith.constant 16 : i32
        %shift_left3A_883 = vector.broadcast %shift_left3A_882 : i32 to vector<16xi32>
        %shift_left3A_884 = arith.shli %xor3A_880, %shift_left3A_883 : vector<16xi32>
        %shift_right_logical3A_885 = arith.constant 16 : i32
        %shift_right_logical3A_886 = vector.broadcast %shift_right_logical3A_885 : i32 to vector<16xi32>
        %shift_right_logical3A_887 = arith.shrui %xor3A_880, %shift_right_logical3A_886 : vector<16xi32>
        %or3A_888 = arith.ori %shift_left3A_884, %shift_right_logical3A_887 : vector<16xi32>
        %xor3A_889 = arith.xori %or3A_888, %add3A_881 : vector<16xi32>
        %add3A_890 = arith.addi %add3A_881, %xor3A_889 : vector<16xi32>
        %shift_left3A_891 = arith.constant 24 : i32
        %shift_left3A_892 = vector.broadcast %shift_left3A_891 : i32 to vector<16xi32>
        %shift_left3A_893 = arith.shli %xor3A_889, %shift_left3A_892 : vector<16xi32>
        %shift_right_logical3A_894 = arith.constant 8 : i32
        %shift_right_logical3A_895 = vector.broadcast %shift_right_logical3A_894 : i32 to vector<16xi32>
        %shift_right_logical3A_896 = arith.shrui %xor3A_889, %shift_right_logical3A_895 : vector<16xi32>
        %or3A_897 = arith.ori %shift_left3A_893, %shift_right_logical3A_896 : vector<16xi32>
        %xor3A_898 = arith.xori %or3A_897, %add3A_890 : vector<16xi32>
        %add3A_899 = arith.constant 42 : i32
        %add3A_900 = vector.broadcast %add3A_899 : i32 to vector<16xi32>
        %add3A_901 = arith.addi %add3A_890, %add3A_900 : vector<16xi32>
        %add3A_902 = arith.constant 466689012 : i32
        %add3A_903 = vector.broadcast %add3A_902 : i32 to vector<16xi32>
        %add3A_904 = arith.addi %xor3A_898, %add3A_903 : vector<16xi32>
        %add3A_905 = arith.addi %add3A_901, %add3A_904 : vector<16xi32>
        %shift_left3A_906 = arith.constant 13 : i32
        %shift_left3A_907 = vector.broadcast %shift_left3A_906 : i32 to vector<16xi32>
        %shift_left3A_908 = arith.shli %add3A_904, %shift_left3A_907 : vector<16xi32>
        %shift_right_logical3A_909 = arith.constant 19 : i32
        %shift_right_logical3A_910 = vector.broadcast %shift_right_logical3A_909 : i32 to vector<16xi32>
        %shift_right_logical3A_911 = arith.shrui %add3A_904, %shift_right_logical3A_910 : vector<16xi32>
        %or3A_912 = arith.ori %shift_left3A_908, %shift_right_logical3A_911 : vector<16xi32>
        %xor3A_913 = arith.xori %or3A_912, %add3A_905 : vector<16xi32>
        %add3A_914 = arith.addi %add3A_905, %xor3A_913 : vector<16xi32>
        %shift_left3A_915 = arith.constant 15 : i32
        %shift_left3A_916 = vector.broadcast %shift_left3A_915 : i32 to vector<16xi32>
        %shift_left3A_917 = arith.shli %xor3A_913, %shift_left3A_916 : vector<16xi32>
        %shift_right_logical3A_918 = arith.constant 17 : i32
        %shift_right_logical3A_919 = vector.broadcast %shift_right_logical3A_918 : i32 to vector<16xi32>
        %shift_right_logical3A_920 = arith.shrui %xor3A_913, %shift_right_logical3A_919 : vector<16xi32>
        %or3A_921 = arith.ori %shift_left3A_917, %shift_right_logical3A_920 : vector<16xi32>
        %xor3A_922 = arith.xori %or3A_921, %add3A_914 : vector<16xi32>
        %add3A_923 = arith.addi %add3A_914, %xor3A_922 : vector<16xi32>
        %shift_left3A_924 = arith.constant 26 : i32
        %shift_left3A_925 = vector.broadcast %shift_left3A_924 : i32 to vector<16xi32>
        %shift_left3A_926 = arith.shli %xor3A_922, %shift_left3A_925 : vector<16xi32>
        %shift_right_logical3A_927 = arith.constant 6 : i32
        %shift_right_logical3A_928 = vector.broadcast %shift_right_logical3A_927 : i32 to vector<16xi32>
        %shift_right_logical3A_929 = arith.shrui %xor3A_922, %shift_right_logical3A_928 : vector<16xi32>
        %or3A_930 = arith.ori %shift_left3A_926, %shift_right_logical3A_929 : vector<16xi32>
        %xor3A_931 = arith.xori %or3A_930, %add3A_923 : vector<16xi32>
        %add3A_932 = arith.addi %add3A_923, %xor3A_931 : vector<16xi32>
        %shift_left3A_933 = arith.constant 6 : i32
        %shift_left3A_934 = vector.broadcast %shift_left3A_933 : i32 to vector<16xi32>
        %shift_left3A_935 = arith.shli %xor3A_931, %shift_left3A_934 : vector<16xi32>
        %shift_right_logical3A_936 = arith.constant 26 : i32
        %shift_right_logical3A_937 = vector.broadcast %shift_right_logical3A_936 : i32 to vector<16xi32>
        %shift_right_logical3A_938 = arith.shrui %xor3A_931, %shift_right_logical3A_937 : vector<16xi32>
        %or3A_939 = arith.ori %shift_left3A_935, %shift_right_logical3A_938 : vector<16xi32>
        %xor3A_940 = arith.xori %or3A_939, %add3A_932 : vector<16xi32>
        %add3A_941 = arith.constant 466689008 : i32
        %add3A_942 = vector.broadcast %add3A_941 : i32 to vector<16xi32>
        %add3A_943 = arith.addi %add3A_932, %add3A_942 : vector<16xi32>
        %add3A_944 = arith.constant 5 : i32
        %add3A_945 = vector.broadcast %add3A_944 : i32 to vector<16xi32>
        %add3A_946 = arith.addi %xor3A_940, %add3A_945 : vector<16xi32>
        %xor3A_947 = arith.xori %add3A_943, %add3A_946 : vector<16xi32>
        %lt3A_948 = arith.constant -429496832 : i32
        %lt3A_949 = vector.broadcast %lt3A_948 : i32 to vector<16xi32>
        %lt3A_950 = arith.cmpi ult, %xor3A_947, %lt3A_949 : vector<16xi32>
        %get3A_951 = arith.index_cast %add3A_728 : i32 to index
        %get3A_952 = tpu.vector_load %arg4[%get3A_951] {strides = array<i32>} : memref<4096xf32, #tpu.memory_space<vmem>>, vector<16xf32>,
        %get3A_953 = vector.shape_cast %get3A_952 : vector<16xf32> to vector<16xf32>
        %div3A_954 = arith.constant 0.899999976 : f32
        %div3A_955 = vector.broadcast %div3A_954 : f32 to vector<16xf32>
        %div3A_956 = arith.divf %get3A_953, %div3A_955 : vector<16xf32>
        %jit3A_957 = arith.constant 0.000000e+00 : f32
        %broadcast_in_dim3A_958 = vector.broadcast %jit3A_957 : f32 to vector<16xf32>
        %select_n3A_959 = arith.select %lt3A_950, %div3A_956, %broadcast_in_dim3A_958 : vector<16xi1>, vector<16xf32>
        %swap3A_960 = arith.index_cast %add3A_728 : i32 to index
        %swap3A_961 = tpu.vector_load %arg5[%swap3A_960] {strides = array<i32>} : memref<4096xf32, #tpu.memory_space<vmem>>, vector<16xf32>,
        %swap3A_962 = vector.shape_cast %swap3A_961 : vector<16xf32> to vector<16xf32>
        %swap3A_963 = vector.shape_cast %select_n3A_959 : vector<16xf32> to vector<16xf32>
        tpu.vector_store %arg5[%swap3A_960], %swap3A_963 {strides = array<i32>} : memref<4096xf32, #tpu.memory_space<vmem>>, vector<16xf32>,
      }
      %scan3A_17 = arith.constant 64 : i32
      "tpu.region"() ({
        %run_scoped3A = tpu.sem_alloc : memref<!tpu.dma_semaphore, #tpu.memory_space<semaphore_mem>>
        %dma_start3A = tpu.memref_slice %arg3[%add3A_11] : memref<393216xf32, #tpu.memory_space<hbm>> -> memref<4096xf32, #tpu.memory_space<hbm>>
        %dma_start3A_18 = tpu.memref_slice %arg3[%add3A_11] : memref<393216xf32, #tpu.memory_space<hbm>> -> memref<4096xf32, #tpu.memory_space<hbm>>
        tpu.enqueue_dma source(%arg5 : memref<4096xf32, #tpu.memory_space<vmem>>) target(%dma_start3A_18 : memref<4096xf32, #tpu.memory_space<hbm>>) target_semaphore(%run_scoped3A : memref<!tpu.dma_semaphore, #tpu.memory_space<semaphore_mem>>)
        %dma_wait3A = tpu.memref_slice %arg3[%add3A_11] : memref<393216xf32, #tpu.memory_space<hbm>> -> memref<4096xf32, #tpu.memory_space<hbm>>
        %dma_wait3A_19 = tpu.memref_slice %arg3[%add3A_11] : memref<393216xf32, #tpu.memory_space<hbm>> -> memref<4096xf32, #tpu.memory_space<hbm>>
        tpu.wait_dma2 semaphore(%run_scoped3A : memref<!tpu.dma_semaphore, #tpu.memory_space<semaphore_mem>>) src(%arg5 : memref<4096xf32, #tpu.memory_space<vmem>>) dst(%dma_wait3A_19 : memref<4096xf32, #tpu.memory_space<hbm>>)
        tpu.yield
      }) : () -> ()
    }
    %scan3A_7 = arith.constant 3 : i32
    return
  }
}

module attributes {stable_mosaic.version = 14 : i64} {
  func.func @_tc_body(%arg0: i32, %arg1: memref<65536xf32, #tpu.memory_space<vmem>>, %arg2: memref<65536xf32, #tpu.memory_space<vmem>>) attributes {dimension_semantics = [#tpu.dimension_semantics<arbitrary>], iteration_bounds = array<i64: 35>, scalar_prefetch = 0 : i64, scratch_operands = 0 : i64, tpu.core_type = #tpu.core_type<tc>, window_params = [{transform_indices = @transform_0, window_bounds = array<i64: 65536>}, {transform_indices = @transform_1, window_bounds = array<i64: 65536>}]} {
    %iota3A = tpu.iota {dimensions = array<i32: 0>} : vector<64x1024xi32>
    %iota3A_0 = tpu.iota {dimensions = array<i32: 1>} : vector<64x1024xi32>
    %mul3A = arith.constant 65536 : i32
    %mul3A_1 = arith.muli %arg0, %mul3A : i32
    %add3A = arith.constant 393216 : i32
    %add3A_2 = arith.addi %add3A, %mul3A_1 : i32
    %mul3A_3 = arith.constant 1024 : i32
    %mul3A_4 = vector.broadcast %mul3A_3 : i32 to vector<64x1024xi32>
    %mul3A_5 = arith.muli %iota3A, %mul3A_4 : vector<64x1024xi32>
    %add3A_6 = arith.addi %mul3A_5, %iota3A_0 : vector<64x1024xi32>
    %add3A_7 = vector.broadcast %add3A_2 : i32 to vector<64x1024xi32>
    %add3A_8 = arith.addi %add3A_6, %add3A_7 : vector<64x1024xi32>
    %broadcast_in_dim3A = arith.constant 0 : i32
    %broadcast_in_dim3A_9 = vector.broadcast %broadcast_in_dim3A : i32 to vector<64x1024xi32>
    %add3A_10 = arith.constant 42 : i32
    %add3A_11 = vector.broadcast %add3A_10 : i32 to vector<64x1024xi32>
    %add3A_12 = arith.addi %add3A_8, %add3A_11 : vector<64x1024xi32>
    %add3A_13 = arith.addi %broadcast_in_dim3A_9, %add3A_12 : vector<64x1024xi32>
    %shift_left3A = arith.constant 13 : i32
    %shift_left3A_14 = vector.broadcast %shift_left3A : i32 to vector<64x1024xi32>
    %shift_left3A_15 = arith.shli %add3A_12, %shift_left3A_14 : vector<64x1024xi32>
    %shift_right_logical3A = arith.constant 19 : i32
    %shift_right_logical3A_16 = vector.broadcast %shift_right_logical3A : i32 to vector<64x1024xi32>
    %shift_right_logical3A_17 = arith.shrui %add3A_12, %shift_right_logical3A_16 : vector<64x1024xi32>
    %or3A = arith.ori %shift_left3A_15, %shift_right_logical3A_17 : vector<64x1024xi32>
    %xor3A = arith.xori %or3A, %add3A_13 : vector<64x1024xi32>
    %add3A_18 = arith.addi %add3A_13, %xor3A : vector<64x1024xi32>
    %shift_left3A_19 = arith.constant 15 : i32
    %shift_left3A_20 = vector.broadcast %shift_left3A_19 : i32 to vector<64x1024xi32>
    %shift_left3A_21 = arith.shli %xor3A, %shift_left3A_20 : vector<64x1024xi32>
    %shift_right_logical3A_22 = arith.constant 17 : i32
    %shift_right_logical3A_23 = vector.broadcast %shift_right_logical3A_22 : i32 to vector<64x1024xi32>
    %shift_right_logical3A_24 = arith.shrui %xor3A, %shift_right_logical3A_23 : vector<64x1024xi32>
    %or3A_25 = arith.ori %shift_left3A_21, %shift_right_logical3A_24 : vector<64x1024xi32>
    %xor3A_26 = arith.xori %or3A_25, %add3A_18 : vector<64x1024xi32>
    %add3A_27 = arith.addi %add3A_18, %xor3A_26 : vector<64x1024xi32>
    %shift_left3A_28 = arith.constant 26 : i32
    %shift_left3A_29 = vector.broadcast %shift_left3A_28 : i32 to vector<64x1024xi32>
    %shift_left3A_30 = arith.shli %xor3A_26, %shift_left3A_29 : vector<64x1024xi32>
    %shift_right_logical3A_31 = arith.constant 6 : i32
    %shift_right_logical3A_32 = vector.broadcast %shift_right_logical3A_31 : i32 to vector<64x1024xi32>
    %shift_right_logical3A_33 = arith.shrui %xor3A_26, %shift_right_logical3A_32 : vector<64x1024xi32>
    %or3A_34 = arith.ori %shift_left3A_30, %shift_right_logical3A_33 : vector<64x1024xi32>
    %xor3A_35 = arith.xori %or3A_34, %add3A_27 : vector<64x1024xi32>
    %add3A_36 = arith.addi %add3A_27, %xor3A_35 : vector<64x1024xi32>
    %shift_left3A_37 = arith.constant 6 : i32
    %shift_left3A_38 = vector.broadcast %shift_left3A_37 : i32 to vector<64x1024xi32>
    %shift_left3A_39 = arith.shli %xor3A_35, %shift_left3A_38 : vector<64x1024xi32>
    %shift_right_logical3A_40 = arith.constant 26 : i32
    %shift_right_logical3A_41 = vector.broadcast %shift_right_logical3A_40 : i32 to vector<64x1024xi32>
    %shift_right_logical3A_42 = arith.shrui %xor3A_35, %shift_right_logical3A_41 : vector<64x1024xi32>
    %or3A_43 = arith.ori %shift_left3A_39, %shift_right_logical3A_42 : vector<64x1024xi32>
    %xor3A_44 = arith.xori %or3A_43, %add3A_36 : vector<64x1024xi32>
    %add3A_45 = arith.constant 42 : i32
    %add3A_46 = vector.broadcast %add3A_45 : i32 to vector<64x1024xi32>
    %add3A_47 = arith.addi %add3A_36, %add3A_46 : vector<64x1024xi32>
    %add3A_48 = arith.constant 466689009 : i32
    %add3A_49 = vector.broadcast %add3A_48 : i32 to vector<64x1024xi32>
    %add3A_50 = arith.addi %xor3A_44, %add3A_49 : vector<64x1024xi32>
    %add3A_51 = arith.addi %add3A_47, %add3A_50 : vector<64x1024xi32>
    %shift_left3A_52 = arith.constant 17 : i32
    %shift_left3A_53 = vector.broadcast %shift_left3A_52 : i32 to vector<64x1024xi32>
    %shift_left3A_54 = arith.shli %add3A_50, %shift_left3A_53 : vector<64x1024xi32>
    %shift_right_logical3A_55 = arith.constant 15 : i32
    %shift_right_logical3A_56 = vector.broadcast %shift_right_logical3A_55 : i32 to vector<64x1024xi32>
    %shift_right_logical3A_57 = arith.shrui %add3A_50, %shift_right_logical3A_56 : vector<64x1024xi32>
    %or3A_58 = arith.ori %shift_left3A_54, %shift_right_logical3A_57 : vector<64x1024xi32>
    %xor3A_59 = arith.xori %or3A_58, %add3A_51 : vector<64x1024xi32>
    %add3A_60 = arith.addi %add3A_51, %xor3A_59 : vector<64x1024xi32>
    %shift_left3A_61 = arith.constant 29 : i32
    %shift_left3A_62 = vector.broadcast %shift_left3A_61 : i32 to vector<64x1024xi32>
    %shift_left3A_63 = arith.shli %xor3A_59, %shift_left3A_62 : vector<64x1024xi32>
    %shift_right_logical3A_64 = arith.constant 3 : i32
    %shift_right_logical3A_65 = vector.broadcast %shift_right_logical3A_64 : i32 to vector<64x1024xi32>
    %shift_right_logical3A_66 = arith.shrui %xor3A_59, %shift_right_logical3A_65 : vector<64x1024xi32>
    %or3A_67 = arith.ori %shift_left3A_63, %shift_right_logical3A_66 : vector<64x1024xi32>
    %xor3A_68 = arith.xori %or3A_67, %add3A_60 : vector<64x1024xi32>
    %add3A_69 = arith.addi %add3A_60, %xor3A_68 : vector<64x1024xi32>
    %shift_left3A_70 = arith.constant 16 : i32
    %shift_left3A_71 = vector.broadcast %shift_left3A_70 : i32 to vector<64x1024xi32>
    %shift_left3A_72 = arith.shli %xor3A_68, %shift_left3A_71 : vector<64x1024xi32>
    %shift_right_logical3A_73 = arith.constant 16 : i32
    %shift_right_logical3A_74 = vector.broadcast %shift_right_logical3A_73 : i32 to vector<64x1024xi32>
    %shift_right_logical3A_75 = arith.shrui %xor3A_68, %shift_right_logical3A_74 : vector<64x1024xi32>
    %or3A_76 = arith.ori %shift_left3A_72, %shift_right_logical3A_75 : vector<64x1024xi32>
    %xor3A_77 = arith.xori %or3A_76, %add3A_69 : vector<64x1024xi32>
    %add3A_78 = arith.addi %add3A_69, %xor3A_77 : vector<64x1024xi32>
    %shift_left3A_79 = arith.constant 24 : i32
    %shift_left3A_80 = vector.broadcast %shift_left3A_79 : i32 to vector<64x1024xi32>
    %shift_left3A_81 = arith.shli %xor3A_77, %shift_left3A_80 : vector<64x1024xi32>
    %shift_right_logical3A_82 = arith.constant 8 : i32
    %shift_right_logical3A_83 = vector.broadcast %shift_right_logical3A_82 : i32 to vector<64x1024xi32>
    %shift_right_logical3A_84 = arith.shrui %xor3A_77, %shift_right_logical3A_83 : vector<64x1024xi32>
    %or3A_85 = arith.ori %shift_left3A_81, %shift_right_logical3A_84 : vector<64x1024xi32>
    %xor3A_86 = arith.xori %or3A_85, %add3A_78 : vector<64x1024xi32>
    %add3A_87 = arith.constant 466689008 : i32
    %add3A_88 = vector.broadcast %add3A_87 : i32 to vector<64x1024xi32>
    %add3A_89 = arith.addi %add3A_78, %add3A_88 : vector<64x1024xi32>
    %add3A_90 = arith.constant 2 : i32
    %add3A_91 = vector.broadcast %add3A_90 : i32 to vector<64x1024xi32>
    %add3A_92 = arith.addi %xor3A_86, %add3A_91 : vector<64x1024xi32>
    %add3A_93 = arith.addi %add3A_89, %add3A_92 : vector<64x1024xi32>
    %shift_left3A_94 = arith.constant 13 : i32
    %shift_left3A_95 = vector.broadcast %shift_left3A_94 : i32 to vector<64x1024xi32>
    %shift_left3A_96 = arith.shli %add3A_92, %shift_left3A_95 : vector<64x1024xi32>
    %shift_right_logical3A_97 = arith.constant 19 : i32
    %shift_right_logical3A_98 = vector.broadcast %shift_right_logical3A_97 : i32 to vector<64x1024xi32>
    %shift_right_logical3A_99 = arith.shrui %add3A_92, %shift_right_logical3A_98 : vector<64x1024xi32>
    %or3A_100 = arith.ori %shift_left3A_96, %shift_right_logical3A_99 : vector<64x1024xi32>
    %xor3A_101 = arith.xori %or3A_100, %add3A_93 : vector<64x1024xi32>
    %add3A_102 = arith.addi %add3A_93, %xor3A_101 : vector<64x1024xi32>
    %shift_left3A_103 = arith.constant 15 : i32
    %shift_left3A_104 = vector.broadcast %shift_left3A_103 : i32 to vector<64x1024xi32>
    %shift_left3A_105 = arith.shli %xor3A_101, %shift_left3A_104 : vector<64x1024xi32>
    %shift_right_logical3A_106 = arith.constant 17 : i32
    %shift_right_logical3A_107 = vector.broadcast %shift_right_logical3A_106 : i32 to vector<64x1024xi32>
    %shift_right_logical3A_108 = arith.shrui %xor3A_101, %shift_right_logical3A_107 : vector<64x1024xi32>
    %or3A_109 = arith.ori %shift_left3A_105, %shift_right_logical3A_108 : vector<64x1024xi32>
    %xor3A_110 = arith.xori %or3A_109, %add3A_102 : vector<64x1024xi32>
    %add3A_111 = arith.addi %add3A_102, %xor3A_110 : vector<64x1024xi32>
    %shift_left3A_112 = arith.constant 26 : i32
    %shift_left3A_113 = vector.broadcast %shift_left3A_112 : i32 to vector<64x1024xi32>
    %shift_left3A_114 = arith.shli %xor3A_110, %shift_left3A_113 : vector<64x1024xi32>
    %shift_right_logical3A_115 = arith.constant 6 : i32
    %shift_right_logical3A_116 = vector.broadcast %shift_right_logical3A_115 : i32 to vector<64x1024xi32>
    %shift_right_logical3A_117 = arith.shrui %xor3A_110, %shift_right_logical3A_116 : vector<64x1024xi32>
    %or3A_118 = arith.ori %shift_left3A_114, %shift_right_logical3A_117 : vector<64x1024xi32>
    %xor3A_119 = arith.xori %or3A_118, %add3A_111 : vector<64x1024xi32>
    %add3A_120 = arith.addi %add3A_111, %xor3A_119 : vector<64x1024xi32>
    %shift_left3A_121 = arith.constant 6 : i32
    %shift_left3A_122 = vector.broadcast %shift_left3A_121 : i32 to vector<64x1024xi32>
    %shift_left3A_123 = arith.shli %xor3A_119, %shift_left3A_122 : vector<64x1024xi32>
    %shift_right_logical3A_124 = arith.constant 26 : i32
    %shift_right_logical3A_125 = vector.broadcast %shift_right_logical3A_124 : i32 to vector<64x1024xi32>
    %shift_right_logical3A_126 = arith.shrui %xor3A_119, %shift_right_logical3A_125 : vector<64x1024xi32>
    %or3A_127 = arith.ori %shift_left3A_123, %shift_right_logical3A_126 : vector<64x1024xi32>
    %xor3A_128 = arith.xori %or3A_127, %add3A_120 : vector<64x1024xi32>
    %add3A_129 = arith.constant 0 : i32
    %add3A_130 = vector.broadcast %add3A_129 : i32 to vector<64x1024xi32>
    %add3A_131 = arith.addi %add3A_120, %add3A_130 : vector<64x1024xi32>
    %add3A_132 = arith.constant 45 : i32
    %add3A_133 = vector.broadcast %add3A_132 : i32 to vector<64x1024xi32>
    %add3A_134 = arith.addi %xor3A_128, %add3A_133 : vector<64x1024xi32>
    %add3A_135 = arith.addi %add3A_131, %add3A_134 : vector<64x1024xi32>
    %shift_left3A_136 = arith.constant 17 : i32
    %shift_left3A_137 = vector.broadcast %shift_left3A_136 : i32 to vector<64x1024xi32>
    %shift_left3A_138 = arith.shli %add3A_134, %shift_left3A_137 : vector<64x1024xi32>
    %shift_right_logical3A_139 = arith.constant 15 : i32
    %shift_right_logical3A_140 = vector.broadcast %shift_right_logical3A_139 : i32 to vector<64x1024xi32>
    %shift_right_logical3A_141 = arith.shrui %add3A_134, %shift_right_logical3A_140 : vector<64x1024xi32>
    %or3A_142 = arith.ori %shift_left3A_138, %shift_right_logical3A_141 : vector<64x1024xi32>
    %xor3A_143 = arith.xori %or3A_142, %add3A_135 : vector<64x1024xi32>
    %add3A_144 = arith.addi %add3A_135, %xor3A_143 : vector<64x1024xi32>
    %shift_left3A_145 = arith.constant 29 : i32
    %shift_left3A_146 = vector.broadcast %shift_left3A_145 : i32 to vector<64x1024xi32>
    %shift_left3A_147 = arith.shli %xor3A_143, %shift_left3A_146 : vector<64x1024xi32>
    %shift_right_logical3A_148 = arith.constant 3 : i32
    %shift_right_logical3A_149 = vector.broadcast %shift_right_logical3A_148 : i32 to vector<64x1024xi32>
    %shift_right_logical3A_150 = arith.shrui %xor3A_143, %shift_right_logical3A_149 : vector<64x1024xi32>
    %or3A_151 = arith.ori %shift_left3A_147, %shift_right_logical3A_150 : vector<64x1024xi32>
    %xor3A_152 = arith.xori %or3A_151, %add3A_144 : vector<64x1024xi32>
    %add3A_153 = arith.addi %add3A_144, %xor3A_152 : vector<64x1024xi32>
    %shift_left3A_154 = arith.constant 16 : i32
    %shift_left3A_155 = vector.broadcast %shift_left3A_154 : i32 to vector<64x1024xi32>
    %shift_left3A_156 = arith.shli %xor3A_152, %shift_left3A_155 : vector<64x1024xi32>
    %shift_right_logical3A_157 = arith.constant 16 : i32
    %shift_right_logical3A_158 = vector.broadcast %shift_right_logical3A_157 : i32 to vector<64x1024xi32>
    %shift_right_logical3A_159 = arith.shrui %xor3A_152, %shift_right_logical3A_158 : vector<64x1024xi32>
    %or3A_160 = arith.ori %shift_left3A_156, %shift_right_logical3A_159 : vector<64x1024xi32>
    %xor3A_161 = arith.xori %or3A_160, %add3A_153 : vector<64x1024xi32>
    %add3A_162 = arith.addi %add3A_153, %xor3A_161 : vector<64x1024xi32>
    %shift_left3A_163 = arith.constant 24 : i32
    %shift_left3A_164 = vector.broadcast %shift_left3A_163 : i32 to vector<64x1024xi32>
    %shift_left3A_165 = arith.shli %xor3A_161, %shift_left3A_164 : vector<64x1024xi32>
    %shift_right_logical3A_166 = arith.constant 8 : i32
    %shift_right_logical3A_167 = vector.broadcast %shift_right_logical3A_166 : i32 to vector<64x1024xi32>
    %shift_right_logical3A_168 = arith.shrui %xor3A_161, %shift_right_logical3A_167 : vector<64x1024xi32>
    %or3A_169 = arith.ori %shift_left3A_165, %shift_right_logical3A_168 : vector<64x1024xi32>
    %xor3A_170 = arith.xori %or3A_169, %add3A_162 : vector<64x1024xi32>
    %add3A_171 = arith.constant 42 : i32
    %add3A_172 = vector.broadcast %add3A_171 : i32 to vector<64x1024xi32>
    %add3A_173 = arith.addi %add3A_162, %add3A_172 : vector<64x1024xi32>
    %add3A_174 = arith.constant 466689012 : i32
    %add3A_175 = vector.broadcast %add3A_174 : i32 to vector<64x1024xi32>
    %add3A_176 = arith.addi %xor3A_170, %add3A_175 : vector<64x1024xi32>
    %add3A_177 = arith.addi %add3A_173, %add3A_176 : vector<64x1024xi32>
    %shift_left3A_178 = arith.constant 13 : i32
    %shift_left3A_179 = vector.broadcast %shift_left3A_178 : i32 to vector<64x1024xi32>
    %shift_left3A_180 = arith.shli %add3A_176, %shift_left3A_179 : vector<64x1024xi32>
    %shift_right_logical3A_181 = arith.constant 19 : i32
    %shift_right_logical3A_182 = vector.broadcast %shift_right_logical3A_181 : i32 to vector<64x1024xi32>
    %shift_right_logical3A_183 = arith.shrui %add3A_176, %shift_right_logical3A_182 : vector<64x1024xi32>
    %or3A_184 = arith.ori %shift_left3A_180, %shift_right_logical3A_183 : vector<64x1024xi32>
    %xor3A_185 = arith.xori %or3A_184, %add3A_177 : vector<64x1024xi32>
    %add3A_186 = arith.addi %add3A_177, %xor3A_185 : vector<64x1024xi32>
    %shift_left3A_187 = arith.constant 15 : i32
    %shift_left3A_188 = vector.broadcast %shift_left3A_187 : i32 to vector<64x1024xi32>
    %shift_left3A_189 = arith.shli %xor3A_185, %shift_left3A_188 : vector<64x1024xi32>
    %shift_right_logical3A_190 = arith.constant 17 : i32
    %shift_right_logical3A_191 = vector.broadcast %shift_right_logical3A_190 : i32 to vector<64x1024xi32>
    %shift_right_logical3A_192 = arith.shrui %xor3A_185, %shift_right_logical3A_191 : vector<64x1024xi32>
    %or3A_193 = arith.ori %shift_left3A_189, %shift_right_logical3A_192 : vector<64x1024xi32>
    %xor3A_194 = arith.xori %or3A_193, %add3A_186 : vector<64x1024xi32>
    %add3A_195 = arith.addi %add3A_186, %xor3A_194 : vector<64x1024xi32>
    %shift_left3A_196 = arith.constant 26 : i32
    %shift_left3A_197 = vector.broadcast %shift_left3A_196 : i32 to vector<64x1024xi32>
    %shift_left3A_198 = arith.shli %xor3A_194, %shift_left3A_197 : vector<64x1024xi32>
    %shift_right_logical3A_199 = arith.constant 6 : i32
    %shift_right_logical3A_200 = vector.broadcast %shift_right_logical3A_199 : i32 to vector<64x1024xi32>
    %shift_right_logical3A_201 = arith.shrui %xor3A_194, %shift_right_logical3A_200 : vector<64x1024xi32>
    %or3A_202 = arith.ori %shift_left3A_198, %shift_right_logical3A_201 : vector<64x1024xi32>
    %xor3A_203 = arith.xori %or3A_202, %add3A_195 : vector<64x1024xi32>
    %add3A_204 = arith.addi %add3A_195, %xor3A_203 : vector<64x1024xi32>
    %shift_left3A_205 = arith.constant 6 : i32
    %shift_left3A_206 = vector.broadcast %shift_left3A_205 : i32 to vector<64x1024xi32>
    %shift_left3A_207 = arith.shli %xor3A_203, %shift_left3A_206 : vector<64x1024xi32>
    %shift_right_logical3A_208 = arith.constant 26 : i32
    %shift_right_logical3A_209 = vector.broadcast %shift_right_logical3A_208 : i32 to vector<64x1024xi32>
    %shift_right_logical3A_210 = arith.shrui %xor3A_203, %shift_right_logical3A_209 : vector<64x1024xi32>
    %or3A_211 = arith.ori %shift_left3A_207, %shift_right_logical3A_210 : vector<64x1024xi32>
    %xor3A_212 = arith.xori %or3A_211, %add3A_204 : vector<64x1024xi32>
    %add3A_213 = arith.constant 466689008 : i32
    %add3A_214 = vector.broadcast %add3A_213 : i32 to vector<64x1024xi32>
    %add3A_215 = arith.addi %add3A_204, %add3A_214 : vector<64x1024xi32>
    %add3A_216 = arith.constant 5 : i32
    %add3A_217 = vector.broadcast %add3A_216 : i32 to vector<64x1024xi32>
    %add3A_218 = arith.addi %xor3A_212, %add3A_217 : vector<64x1024xi32>
    %xor3A_219 = arith.xori %add3A_215, %add3A_218 : vector<64x1024xi32>
    %lt3A = arith.constant -429496832 : i32
    %lt3A_220 = vector.broadcast %lt3A : i32 to vector<64x1024xi32>
    %lt3A_221 = arith.cmpi ult, %xor3A_219, %lt3A_220 : vector<64x1024xi32>
    %get3A = arith.constant 0 : index
    %get3A_222 = vector.load %arg1[%get3A] : memref<65536xf32, #tpu.memory_space<vmem>>, vector<65536xf32>
    %reshape3A = vector.shape_cast %get3A_222 : vector<65536xf32> to vector<64x1024xf32>
    %div3A = arith.constant 0.899999976 : f32
    %div3A_223 = vector.broadcast %div3A : f32 to vector<64x1024xf32>
    %div3A_224 = arith.divf %reshape3A, %div3A_223 : vector<64x1024xf32>
    %jit3A = arith.constant 0.000000e+00 : f32
    %broadcast_in_dim3A_225 = vector.broadcast %jit3A : f32 to vector<64x1024xf32>
    %select_n3A = arith.select %lt3A_221, %div3A_224, %broadcast_in_dim3A_225 : vector<64x1024xi1>, vector<64x1024xf32>
    %reshape3A_226 = vector.shape_cast %select_n3A : vector<64x1024xf32> to vector<65536xf32>
    %swap3A = arith.constant 0 : index
    %swap3A_227 = vector.load %arg2[%swap3A] : memref<65536xf32, #tpu.memory_space<vmem>>, vector<65536xf32>
    tpu.vector_store %arg2[%swap3A], %reshape3A_226 {strides = array<i32>} : memref<65536xf32, #tpu.memory_space<vmem>>, vector<65536xf32>,
    return
  }
  func.func @transform_0(%arg0: i32) -> i32 {
    %add3A = arith.constant 6 : i32
    %add3A_0 = arith.addi %arg0, %add3A : i32
    %c0_i32 = arith.constant 0 : i32
    return %add3A_0 : i32
  }
  func.func @transform_1(%arg0: i32) -> i32 {
    %add3A = arith.constant 6 : i32
    %add3A_0 = arith.addi %arg0, %add3A : i32
    %c0_i32 = arith.constant 0 : i32
    return %add3A_0 : i32
  }
}

</mosaic_0001>

<sc_bundles>
// kernel: kernel.4.cloned.1.call-start
scs
__scs_entry_jumppad:
0x0: {  	(pc) =	sbr.rel $0x88, $3  }
0x1: {  	(tag) =	ssettag $0x0;
	lr =	simm.s32 $0x1  }
0x2: {  	[smem:$0x3F9F] =	sst lr;
	_ =	strace $0xD0000000  }
0x3: {  	_ = 	snop  }
0x4: {  	_ = 	snop  }
0x5: {  	_ = 	snop  }
0x6: {  	_ = 	snop  }
0x7: {  	_ = 	snop  }
__scs_overlays_trampoline_lowered:
0x8: {  	[smem:$0x3FAE] =	sst s0  }
0x9: {  	[smem:$0x3FAF] =	sst s1  }
0xa: {  	[smem:$0x3FB0] =	sst s2  }
0xb: {  	[smem:$0x3FB1] =	sst s3  }
0xc: {  	[smem:$0x3FB2] =	sst s4  }
0xd: {  	[smem:$0x3FB3] =	sst s5  }
0xe: {  	[smem:$0x3FB4] =	sst s6  }
0xf: {  	[smem:$0x3FB5] =	sst s7  }
0x10: {  	[smem:$0x3FB6] =	sst s8  }
0x11: {  	[smem:$0x3FB7] =	sst s9;
	s0 =	simm.s32 @!p0 $0x0  }
0x12: {  	s1 =	sld [smem:$0x3F9D];
	s0 =	simm.s32 @p0 $0x1  }
0x13: {  	[smem:$0x3FB8] =	sst s0;
	s0 =	simm.s32 @!p1 $0x0  }
0x14: {  	s2 =	sld [smem:$0x3F9C];
	s0 =	simm.s32 @p1 $0x1  }
0x15: {  	[smem:$0x3FB9] =	sst s0;
	s0 =	simm.s32 @!p2 $0x0  }
0x16: {  	s3 =	sld [smem:$0x3FDB];
	s0 =	simm.s32 @p2 $0x1  }
0x17: {  	s4 =	simm.s32 $0x1BF5;
	[smem:$0x3FBB] =	sst s0  }
0x18: {  	s0 =	sld [smem:$0x3F9E];
	_ =	swait.ge [sflag:s4], $0x0  }
0x19: {  	s7 =	sld [smem:$0x3F9F]  }
0x1a: {  	s8 =	sadd.s32 $0xFFFFE003, lr  }
0x1b: {  	s9 =	sadd.s32 $0xFFFFFEF7, lr;
	s5 =	simm.s32 $0xFFFFFFFF;
	p2 =	slt.u32 s8, $0xFFFFF086  }
0x1c: {  	p1 =	slt.u32 s9, $0xF7A;
	s5 =	simm.s32 @!p2 $0x0  }
0x1d: {  	s5 =	simm.s32 @p1 $0x1;
	p0 =	seq.s32 s7, s2  }
0x1e: {  	s7 =	smul.u32 @!p0 $0xF7A, s2;
	p2 =	seq.s32 @!p0 s5, $0x0  }
0x1f: {  	s9 =	smul.u32 $0xF7A, s1;
	s8 =	simm.s32 @!p0 $0x1BF5;
	p2 =	por !p2, p0  }
0x20: {  	[sflag:s8] =	ssyncset.s32 @!p0 $0xFFFFF086;
	s6 =	sadd.s32 @!p0 s3, s7;
	s7 =	simm.s32 @!p0 $0x108  }
0x21: {  	s3 =	sadd.s32 s3, s9;
	s6 =	sadd.s32 @!p0 $0x88, s6;
	s7 =	simm.s32 @p2 $0x1082  }
0x22: {  	[simem:s7], [sflag:s8] =	dma.local @!p0 [hbm:s6], $0xF7A  }
0x23: {  	s9 =	sor.u32 $0xD0000000, s2;
	s6 =	simm.s32 $0x108;
	_ =	swait.ge @!p0 [sflag:s8], $0x0  }
0x24: {  	s3 =	sadd.s32 $0x88, s3;
	s6 =	simm.s32 @!p1 $0x1082;
	[sflag:s4] =	ssyncset.s32 $0xFFFFF086  }
0x25: {  	[simem:s6], [sflag:s4] =	dma.local [hbm:s3], $0xF7A  }
0x26: {  	[smem:$0x3F9F] =	sst s1;
	(tag) =	ssettag s2;
	_ =	strace s9  }
0x27: {  	s1 =	sld [smem:$0x3FAF]  }
0x28: {  	s2 =	sld [smem:$0x3FB0]  }
0x29: {  	s4 =	sld [smem:$0x3FB2]  }
0x2a: {  	p0 =	seq.s32 s5, $0x0;
	s5 =	sld [smem:$0x3FB3]  }
0x2b: {  	s6 =	sld [smem:$0x3FB4]  }
0x2c: {  	s7 =	sld [smem:$0x3FB5]  }
0x2d: {  	s3 =	simm.s32 $0x108;
	s8 =	sld [smem:$0x3FB6]  }
0x2e: {  	s3 =	simm.s32 @!p0 $0x1082;
	s9 =	sld [smem:$0x3FB7]  }
0x2f: {  	lr =	sadd.s32 s0, s3;
	s0 =	sld [smem:$0x3FAE]  }
0x30: {  	s3 =	sld [smem:$0x3FB1]  }
0x31: {  	[smem:$0x3FBA] =	sst s10  }
0x32: {  	s10 =	sld [smem:$0x3FB8];
	_ =	sdelay $0x3  }
0x33: {  	p0 =	seq.s32 s10, $0x1;
	s10 =	sld [smem:$0x3FBA];
	_ =	sdelay $0x3  }
0x34: {  	[smem:$0x3FBA] =	sst s10  }
0x35: {  	s10 =	sld [smem:$0x3FB9];
	_ =	sdelay $0x3  }
0x36: {  	p1 =	seq.s32 s10, $0x1;
	s10 =	sld [smem:$0x3FBA];
	_ =	sdelay $0x3  }
0x37: {  	[smem:$0x3FBA] =	sst s10  }
0x38: {  	s10 =	sld [smem:$0x3FBB]  }
0x39: {  	_ = 	snop;
	(pc) =	sbr.ind lr, $3  }
0x3a: {  	_ = 	snop  }
0x3b: {  	_ = 	snop  }
0x3c: {  	p2 =	seq.s32 s10, $0x1;
	s10 =	sld [smem:$0x3FBA]  }
0x3d: {  	_ =	shalt  }
0x3e: {  	_ =	shalt  }
0x3f: {  	_ =	shalt  }
0x40: {  	_ =	shalt  }
0x41: {  	_ =	shalt  }
0x42: {  	_ =	shalt  }
0x43: {  	_ =	shalt  }
0x44: {  	_ =	shalt  }
0x45: {  	_ =	shalt  }
0x46: {  	_ =	shalt  }
0x47: {  	_ =	shalt  }
0x48: {  	_ =	shalt  }
0x49: {  	_ =	shalt  }
0x4a: {  	_ =	shalt  }
0x4b: {  	_ =	shalt  }
0x4c: {  	_ =	shalt  }
0x4d: {  	_ =	shalt  }
0x4e: {  	_ =	shalt  }
0x4f: {  	_ =	shalt  }
0x50: {  	_ =	shalt  }
0x51: {  	_ =	shalt  }
0x52: {  	_ =	shalt  }
0x53: {  	_ =	shalt  }
0x54: {  	_ =	shalt  }
0x55: {  	_ =	shalt  }
0x56: {  	_ =	shalt  }
0x57: {  	_ =	shalt  }
0x58: {  	_ =	shalt  }
0x59: {  	_ =	shalt  }
0x5a: {  	_ =	shalt  }
0x5b: {  	_ =	shalt  }
0x5c: {  	_ =	shalt  }
0x5d: {  	_ =	shalt  }
0x5e: {  	_ =	shalt  }
0x5f: {  	_ =	shalt  }
0x60: {  	_ =	shalt  }
0x61: {  	_ =	shalt  }
0x62: {  	_ =	shalt  }
0x63: {  	_ =	shalt  }
0x64: {  	_ =	shalt  }
0x65: {  	_ =	shalt  }
0x66: {  	_ =	shalt  }
0x67: {  	_ =	shalt  }
0x68: {  	_ =	shalt  }
0x69: {  	_ =	shalt  }
0x6a: {  	_ =	shalt  }
0x6b: {  	_ =	shalt  }
0x6c: {  	_ =	shalt  }
0x6d: {  	_ =	shalt  }
0x6e: {  	_ =	shalt  }
0x6f: {  	_ =	shalt  }
0x70: {  	_ =	shalt  }
0x71: {  	_ =	shalt  }
0x72: {  	_ =	shalt  }
0x73: {  	_ =	shalt  }
0x74: {  	_ =	shalt  }
0x75: {  	_ =	shalt  }
0x76: {  	_ =	shalt  }
0x77: {  	_ =	shalt  }
0x78: {  	_ =	shalt  }
0x79: {  	_ =	shalt  }
0x7a: {  	_ =	shalt  }
0x7b: {  	_ =	shalt  }
0x7c: {  	_ =	shalt  }
0x7d: {  	_ =	shalt  }
0x7e: {  	_ =	shalt  }
0x7f: {  	_ =	shalt  }
0x80: {  	_ =	shalt  }
0x81: {  	_ =	shalt  }
0x82: {  	_ =	shalt  }
0x83: {  	_ =	shalt  }
0x84: {  	_ =	shalt  }
0x85: {  	_ =	shalt  }
0x86: {  	_ =	shalt  }
0x87: {  	_ =	shalt  }
.Lfunc_end0:
.L_simem_size_0:
called_computation_lowered:
.L_overlay_start_0:
0x88: {  	s2 =	sld [smem:$0x3FD9]  }
0x89: {  	s3 =	sld [smem:$0x3FFE];
	_ =	sdelay $0x1  }
0x8a: {  	s1 =	srdreg.scid  }
0x8b: {  	s0 =	sand.u32 $0x1, s1  }
0x8c: {  	s15 =	sshll.u32 s0, $0xA;
	s2 =	sadd.s32 s3, s2  }
0x8d: {  	s2 =	sadd.s32 s2, s15  }
0x8e: {  	[smem:$0x3FC6] =	sst s2  }
0x8f: {  	_ = 	snop  }
0x90: {  	s2 =	sld [smem:$0x3FD0];
	_ =	sdelay $0x2  }
0x91: {  	s4 =	simm.s32 $0xA;
	s5 =	simm.s32 $0x10;
	s16 =	sld [smem:$0x3FC9]  }
0x92: {  	[smem:s5], [sflag:s4] =	dma.local [hbm:s2], $0x1  }
0x93: {  	_ =	swait.eq [sflag:s4], $0x1  }
0x94: {  	[sflag:s4] =	ssyncset.done $0x0  }
0x95: {  	[sflag:s4] =	ssyncadd.s32 $0xFFFFFFFF  }
0x96: {  	s17 =	sld [smem:$0x11];
	(tm) =	ssettm $0x1  }
0x97: {  	s18 =	sld [smem:$0x3FFB];
	_ =	sdelay $0x3  }
0x98: {  	_ =	strace s18  }
0x99: {  	s4 =	sld [smem:$0x3FFC];
	_ =	sdelay $0x3  }
0x9a: {  	_ =	strace s4  }
0x9b: {  	s4 =	sld [smem:$0x3FFD];
	_ =	sdelay $0x3  }
0x9c: {  	_ =	strace s4  }
0x9d: {  	_ =	strace $0x8FFFFFFF  }
0x9e: {  	s19 =	sld [smem:$0x3FDB];
	_ =	sdelay $0x1  }
0x9f: {  	s20 =	simm.s32 $_scs_section_size  }
0xa0: {  	s6 =	simm.s32 $_size__tile_overlayer_lowered;
	s7 =	simm.s32 $_tile_overlayer_lowered  }
0xa1: {  	s23 =	simm.s32 $0x1BFF;
	s22 =	sshll.u32 s7, $0x1;
	s4 =	sadd.s32 s20, s19  }
0xa2: {  	s8 =	simm.s32 $0x0;
	s21 =	sshll.u32 s6, $0x1;
	s6 =	sadd.s32 s22, s4  }
0xa3: {  	[timem:s8], [sflag:s23] =	dma.local [hbm:s6], s21  }
0xa4: {  	_ =	swait.ge [sflag:s23], s21  }
0xa5: {  	s5 =	ssub.s32 $0x0, s21;
	[sflag:s23] =	ssyncset.done $0x0  }
0xa6: {  	[sflag:s23] =	ssyncadd.s32 s5;
	_ =	sdelay $0x1  }
0xa7: {  	s24 =	simm.s32 $0x1B8B  }
0xa8: {  	_ =	swait.ge [sflag:s24], $0x1  }
0xa9: {  	[sflag:s24] =	ssyncset.done $0x0  }
0xaa: {  	s25 =	simm.s32 $0x1B8E;
	[sflag:s24] =	ssyncadd.s32 $0xFFFFFFFF  }
0xab: {  	s26 =	simm.s32 $execute0_lowered;
	[smem:$0x3FD2] =	sst s25  }
0xac: {  	s5 =	sshll.u32 s26, $0x1;
	_ =	strace $0x80000046;
	[dreg:$0x1] =	wrdreg $0xFFFFFFFF  }
0xad: {  	s28 =	simm.s32 $_size_execute0_lowered;
	s4 =	sadd.s32 s4, s5;
	[dreg:$0x0] =	wrdreg $0x0  }
0xae: {  	s5 =	sshll.u32 s28, $0x1;
	[dreg:$0x2] =	wrdreg s4  }
0xaf: {  	[dreg:$0x3] =	wrdreg s5  }
0xb0: {  	[dreg:$0x4] =	wrdreg $0xC0  }
0xb1: {  	_ =	task [dreg:s8], $0x5FFFF  }
0xb2: {  	[dreg:$0x1] =	wrdreg $0xFFFFFFFF  }
0xb3: {  	[dreg:$0x0] =	wrdreg $0x60  }
0xb4: {  	[dreg:$0x2] =	wrdreg s16  }
0xb5: {  	[dreg:$0x3] =	wrdreg s17  }
0xb6: {  	[dreg:$0x4] =	wrdreg $0x9  }
0xb7: {  	_ =	task.clear_ibuf [dreg:s8], $0x5FFFF;
	_ =	strace $0x90000046  }
0xb8: {  	s29 =	simm.s32 $0x9;
	_ =	strace $0x80000048  }
0xb9: {  	_ =	swait.ge [sflag:s29], $0x1  }
0xba: {  	[sflag:s29] =	ssyncadd.s32 $0xFFFFFFFF  }
0xbb: {  	_ =	strace $0x90000048  }
0xbc: {  	_ =	sfence  }
0xbd: {  	s30 =	sld [smem:$0x0];
	_ =	sdelay $0x2  }
0xbe: {  	s31 =	sshll.u32 s1, $0xD;
	s1 =	sshrl.u32 s1, $0x2  }
0xbf: {  	s3 =	sand.u32 $0x4000, s31;
	s1 =	sadd.s32 s1, s30  }
0xc0: {  	s0 =	sor.u32 s3, s0;
	s1 =	sshll.u32 s1, $0x11  }
0xc1: {  	s0 =	sor.u32 s1, s0  }
0xc2: {  	s0 =	sadd.s32 $0x8F2B, s0  }
0xc3: {  	[sflag:s0] =	ssyncadd.remote.s32 $0x1  }
0xc4: {  	_ =	sfence.sel $0xFFFF  }
0xc5: {  	[dreg:$0x0] =	wrdreg $0xFFFFFFFF;
	(pc) =	sbr.abs _section_cstart, $3  }
0xc6: {  	[dreg:$0x1] =	wrdreg $0xFFFFFFFF  }
0xc7: {  	_ =	task.clear_ibuf [dreg:s8], $0x2FFFF;
	_ =	strace $0x9FFFFFFF  }
0xc8: {  	(tm) =	ssettm $0x7FFFFFFF  }
0xc9: {  	_ =	shalt  }
tec
execute0_lowered:
.L_overlay_start_1:
0x0: {  	(tag) =	ssettag $0x1  }
0x1: {  	s1 =	rddreg [dreg:$0x0]  }
0x2: {  	s2 =	rddreg [dreg:$0x1];
	s3 =	simm.s32 $0x0  }
0x3: {  	[smem:$0x7FF] =	sst s3  }
0x4: {  	s0 =	rddreg [dreg:$0x2];
	v0 =	vimm.f32 $8.999999760e-01;
	_ =	strace $0x80000047  }
0x5: {  	(erf) = vrcp.f32 v0;
	_ =	sdelay $0x3  }
0x6: {  	s5 =	srdreg.scid;
	s4 =	stileid.u32  }
0x7: {  	s5 =	sand.u32 $0x1, s5;
	s7 =	smul.u32 $0x6000, s4  }
0x8: {  	s9 =	sshll.u32 s4, $0x1;
	s6 =	ssub.s32 $0x2, s5;
	s10 =	smul.u32 $0x3000, s5  }
0x9: {  	s5 =	sor.u32 s5, s9;
	s9 =	simm.s32 $0x1000;
	s8 =	sshrl.u32 s6, $0x1  }
0xa: {  	v1 =	vlaneseq.u32;
	s5 =	smul.u32 $0x3000, s5;
	s6 =	ssub.s32 s6, s8;
	s7 =	sadd.s32 s10, s7  }
0xb: {  	v1 =	vadd.s32 $0x2A, v1;
	s8 =	simm.s32 $0x1;
	s10 =	simm.s32 $0x0;
	s6 =	smax.u32 s6, $0x1;
	v0 =	vpop (erf)  }
.LBB2_1:
0xc: {  	s11 =	smov.u32 s7;
	s12 =	simm.s32 $0x0  }
.LBB2_2:
0xd: {  	s13 =	sadd.s32 $0x0, s11  }
0xe: {  	v2 =	vmov s13;
	v3 =	vor.u32 s13, v1;
	s14 =	sadd.s32 $0x20, s13;
	s15 =	sadd.s32 $0x30, s13;
	s13 =	sadd.s32 $0x10, s13  }
0xf: {  	v4 =	vadd.s32 s14, v1;
	v5 =	vadd.s32 s15, v1;
	v6 =	vadd.s32 s13, v1  }
0x10: {  	v2 =	vshrl.u32 v2, $0x13;
	v7 =	vshll.u32 v3, $0xD;
	v8 =	vshrl.u32 v5, $0x13  }
0x11: {  	v9 =	vshll.u32 v5, $0xD;
	v10 =	vshrl.u32 v4, $0x13;
	v11 =	vshrl.u32 v6, $0x13  }
0x12: {  	v12 =	vshll.u32 v4, $0xD;
	v2 =	vor.u32 v2, v7;
	v7 =	vshll.u32 v6, $0xD  }
0x13: {  	v7 =	vor.u32 v11, v7;
	v10 =	vor.u32 v10, v12;
	v8 =	vor.u32 v8, v9  }
0x14: {  	v2 =	vxor.u32 v3, v2;
	v9 =	vxor.u32 v4, v10;
	v8 =	vxor.u32 v5, v8  }
0x15: {  	v3 =	vadd.s32 v3, v2;
	v10 =	vshrl.u32 v2, $0x11;
	v7 =	vxor.u32 v6, v7  }
0x16: {  	v2 =	vshll.u32 v2, $0xF;
	v5 =	vadd.s32 v5, v8;
	v11 =	vshrl.u32 v8, $0x11  }
0x17: {  	v4 =	vadd.s32 v4, v9;
	v12 =	vshrl.u32 v9, $0x11;
	v8 =	vshll.u32 v8, $0xF  }
0x18: {  	v6 =	vadd.s32 v6, v7;
	v13 =	vshrl.u32 v7, $0x11;
	v9 =	vshll.u32 v9, $0xF  }
0x19: {  	v2 =	vor.u32 v10, v2;
	v7 =	vshll.u32 v7, $0xF;
	v8 =	vor.u32 v11, v8  }
0x1a: {  	v2 =	vxor.u32 v3, v2;
	v7 =	vor.u32 v13, v7;
	v9 =	vor.u32 v12, v9  }
0x1b: {  	v7 =	vxor.u32 v6, v7;
	v9 =	vxor.u32 v4, v9;
	v8 =	vxor.u32 v5, v8  }
0x1c: {  	v3 =	vadd.s32 v3, v2;
	v10 =	vshrl.u32 v2, $0x6;
	v2 =	vshll.u32 v2, $0x1A  }
0x1d: {  	v5 =	vadd.s32 v5, v8;
	v11 =	vshrl.u32 v8, $0x6;
	v8 =	vshll.u32 v8, $0x1A  }
0x1e: {  	v4 =	vadd.s32 v4, v9;
	v12 =	vshrl.u32 v9, $0x6;
	v9 =	vshll.u32 v9, $0x1A  }
0x1f: {  	v6 =	vadd.s32 v6, v7;
	v13 =	vshrl.u32 v7, $0x6;
	v7 =	vshll.u32 v7, $0x1A  }
0x20: {  	v2 =	vor.u32 v10, v2;
	v9 =	vor.u32 v12, v9;
	v8 =	vor.u32 v11, v8  }
0x21: {  	v2 =	vxor.u32 v3, v2;
	v7 =	vor.u32 v13, v7;
	v8 =	vxor.u32 v5, v8  }
0x22: {  	v3 =	vadd.s32 v3, v2;
	v7 =	vxor.u32 v6, v7;
	v9 =	vxor.u32 v4, v9  }
0x23: {  	v10 =	vshrl.u32 v2, $0x1A;
	v2 =	vshll.u32 v2, $0x6;
	v5 =	vadd.s32 v5, v8  }
0x24: {  	v4 =	vadd.s32 v4, v9;
	v11 =	vshrl.u32 v8, $0x1A;
	v8 =	vshll.u32 v8, $0x6  }
0x25: {  	v6 =	vadd.s32 v6, v7;
	v12 =	vshrl.u32 v9, $0x1A;
	v9 =	vshll.u32 v9, $0x6  }
0x26: {  	v2 =	vor.u32 v10, v2;
	v10 =	vshrl.u32 v7, $0x1A;
	v7 =	vshll.u32 v7, $0x6  }
0x27: {  	v7 =	vor.u32 v10, v7;
	v9 =	vor.u32 v12, v9;
	v8 =	vor.u32 v11, v8  }
0x28: {  	v2 =	vxor.u32 v3, v2;
	v9 =	vxor.u32 v4, v9;
	v8 =	vxor.u32 v5, v8  }
0x29: {  	v2 =	vadd.s32 $0x1BD11BF1, v2;
	v7 =	vxor.u32 v6, v7;
	v8 =	vadd.s32 $0x1BD11BF1, v8  }
0x2a: {  	v3 =	vadd.s32 v2, v3;
	v7 =	vadd.s32 $0x1BD11BF1, v7;
	v9 =	vadd.s32 $0x1BD11BF1, v9  }
0x2b: {  	v10 =	vshrl.u32 v2, $0xF;
	v2 =	vshll.u32 v2, $0x11;
	v5 =	vadd.s32 v8, v5  }
0x2c: {  	v4 =	vadd.s32 v9, v4;
	v11 =	vshrl.u32 v8, $0xF;
	v8 =	vshll.u32 v8, $0x11  }
0x2d: {  	v6 =	vadd.s32 v7, v6;
	v12 =	vshrl.u32 v9, $0xF;
	v9 =	vshll.u32 v9, $0x11  }
0x2e: {  	v3 =	vadd.s32 $0x2A, v3;
	v13 =	vshrl.u32 v7, $0xF;
	v7 =	vshll.u32 v7, $0x11  }
0x2f: {  	v2 =	vor.u32 v10, v2;
	v5 =	vadd.s32 $0x2A, v5;
	v8 =	vor.u32 v11, v8  }
0x30: {  	v6 =	vadd.s32 $0x2A, v6;
	v4 =	vadd.s32 $0x2A, v4;
	v9 =	vor.u32 v12, v9  }
0x31: {  	v2 =	vxor.u32 v3, v2;
	v7 =	vor.u32 v13, v7;
	v8 =	vxor.u32 v5, v8  }
0x32: {  	v3 =	vadd.s32 v3, v2;
	v7 =	vxor.u32 v6, v7;
	v9 =	vxor.u32 v4, v9  }
0x33: {  	v10 =	vshrl.u32 v2, $0x3;
	v2 =	vshll.u32 v2, $0x1D;
	v5 =	vadd.s32 v5, v8  }
0x34: {  	v4 =	vadd.s32 v4, v9;
	v11 =	vshrl.u32 v8, $0x3;
	v8 =	vshll.u32 v8, $0x1D  }
0x35: {  	v6 =	vadd.s32 v6, v7;
	v12 =	vshrl.u32 v9, $0x3;
	v9 =	vshll.u32 v9, $0x1D  }
0x36: {  	v2 =	vor.u32 v10, v2;
	v10 =	vshrl.u32 v7, $0x3;
	v7 =	vshll.u32 v7, $0x1D  }
0x37: {  	v7 =	vor.u32 v10, v7;
	v9 =	vor.u32 v12, v9;
	v8 =	vor.u32 v11, v8  }
0x38: {  	v2 =	vxor.u32 v3, v2;
	v9 =	vxor.u32 v4, v9;
	v8 =	vxor.u32 v5, v8  }
0x39: {  	v3 =	vadd.s32 v3, v2;
	v10 =	vshrl.u32 v2, $0x10;
	v7 =	vxor.u32 v6, v7  }
0x3a: {  	v2 =	vshll.u32 v2, $0x10;
	v5 =	vadd.s32 v5, v8;
	v11 =	vshrl.u32 v8, $0x10  }
0x3b: {  	v4 =	vadd.s32 v4, v9;
	v12 =	vshrl.u32 v9, $0x10;
	v8 =	vshll.u32 v8, $0x10  }
0x3c: {  	v6 =	vadd.s32 v6, v7;
	v13 =	vshrl.u32 v7, $0x10;
	v9 =	vshll.u32 v9, $0x10  }
0x3d: {  	v2 =	vor.u32 v10, v2;
	v7 =	vshll.u32 v7, $0x10;
	v8 =	vor.u32 v11, v8  }
0x3e: {  	v2 =	vxor.u32 v3, v2;
	v7 =	vor.u32 v13, v7;
	v9 =	vor.u32 v12, v9  }
0x3f: {  	v7 =	vxor.u32 v6, v7;
	v9 =	vxor.u32 v4, v9;
	v8 =	vxor.u32 v5, v8  }
0x40: {  	v3 =	vadd.s32 v3, v2;
	v10 =	vshrl.u32 v2, $0x8;
	v2 =	vshll.u32 v2, $0x18  }
0x41: {  	v5 =	vadd.s32 v5, v8;
	v11 =	vshrl.u32 v8, $0x8;
	v8 =	vshll.u32 v8, $0x18  }
0x42: {  	v4 =	vadd.s32 v4, v9;
	v12 =	vshrl.u32 v9, $0x8;
	v9 =	vshll.u32 v9, $0x18  }
0x43: {  	v6 =	vadd.s32 v6, v7;
	v13 =	vshrl.u32 v7, $0x8;
	v7 =	vshll.u32 v7, $0x18  }
0x44: {  	v2 =	vor.u32 v10, v2;
	v9 =	vor.u32 v12, v9;
	v8 =	vor.u32 v11, v8  }
0x45: {  	v2 =	vxor.u32 v3, v2;
	v7 =	vor.u32 v13, v7;
	v8 =	vxor.u32 v5, v8  }
0x46: {  	v2 =	vadd.s32 $0x2, v2;
	v7 =	vxor.u32 v6, v7;
	v9 =	vxor.u32 v4, v9  }
0x47: {  	v7 =	vadd.s32 $0x2, v7;
	v9 =	vadd.s32 $0x2, v9;
	v8 =	vadd.s32 $0x2, v8  }
0x48: {  	v3 =	vadd.s32 v2, v3;
	v10 =	vshrl.u32 v2, $0x13;
	v2 =	vshll.u32 v2, $0xD  }
0x49: {  	v5 =	vadd.s32 v8, v5;
	v11 =	vshrl.u32 v8, $0x13;
	v8 =	vshll.u32 v8, $0xD  }
0x4a: {  	v4 =	vadd.s32 v9, v4;
	v12 =	vshrl.u32 v9, $0x13;
	v9 =	vshll.u32 v9, $0xD  }
0x4b: {  	v6 =	vadd.s32 v7, v6;
	v13 =	vshrl.u32 v7, $0x13;
	v7 =	vshll.u32 v7, $0xD  }
0x4c: {  	v3 =	vadd.s32 $0x1BD11BF0, v3;
	v2 =	vor.u32 v10, v2;
	v5 =	vadd.s32 $0x1BD11BF0, v5  }
0x4d: {  	v4 =	vadd.s32 $0x1BD11BF0, v4;
	v9 =	vor.u32 v12, v9;
	v8 =	vor.u32 v11, v8  }
0x4e: {  	v2 =	vxor.u32 v3, v2;
	v6 =	vadd.s32 $0x1BD11BF0, v6;
	v7 =	vor.u32 v13, v7  }
0x4f: {  	v7 =	vxor.u32 v6, v7;
	v9 =	vxor.u32 v4, v9;
	v8 =	vxor.u32 v5, v8  }
0x50: {  	v3 =	vadd.s32 v3, v2;
	v10 =	vshrl.u32 v2, $0x11;
	v2 =	vshll.u32 v2, $0xF  }
0x51: {  	v5 =	vadd.s32 v5, v8;
	v11 =	vshrl.u32 v8, $0x11;
	v8 =	vshll.u32 v8, $0xF  }
0x52: {  	v4 =	vadd.s32 v4, v9;
	v12 =	vshrl.u32 v9, $0x11;
	v9 =	vshll.u32 v9, $0xF  }
0x53: {  	v6 =	vadd.s32 v6, v7;
	v13 =	vshrl.u32 v7, $0x11;
	v7 =	vshll.u32 v7, $0xF  }
0x54: {  	v2 =	vor.u32 v10, v2;
	v9 =	vor.u32 v12, v9;
	v8 =	vor.u32 v11, v8  }
0x55: {  	v2 =	vxor.u32 v3, v2;
	v7 =	vor.u32 v13, v7;
	v8 =	vxor.u32 v5, v8  }
0x56: {  	v3 =	vadd.s32 v3, v2;
	v7 =	vxor.u32 v6, v7;
	v9 =	vxor.u32 v4, v9  }
0x57: {  	v10 =	vshrl.u32 v2, $0x6;
	v2 =	vshll.u32 v2, $0x1A;
	v5 =	vadd.s32 v5, v8  }
0x58: {  	v4 =	vadd.s32 v4, v9;
	v11 =	vshrl.u32 v8, $0x6;
	v8 =	vshll.u32 v8, $0x1A  }
0x59: {  	v6 =	vadd.s32 v6, v7;
	v12 =	vshrl.u32 v9, $0x6;
	v9 =	vshll.u32 v9, $0x1A  }
0x5a: {  	v2 =	vor.u32 v10, v2;
	v10 =	vshrl.u32 v7, $0x6;
	v7 =	vshll.u32 v7, $0x1A  }
0x5b: {  	v7 =	vor.u32 v10, v7;
	v9 =	vor.u32 v12, v9;
	v8 =	vor.u32 v11, v8  }
0x5c: {  	v2 =	vxor.u32 v3, v2;
	v9 =	vxor.u32 v4, v9;
	v8 =	vxor.u32 v5, v8  }
0x5d: {  	v3 =	vadd.s32 v3, v2;
	v10 =	vshrl.u32 v2, $0x1A;
	v7 =	vxor.u32 v6, v7  }
0x5e: {  	v2 =	vshll.u32 v2, $0x6;
	v5 =	vadd.s32 v5, v8;
	v11 =	vshrl.u32 v8, $0x1A  }
0x5f: {  	v4 =	vadd.s32 v4, v9;
	v12 =	vshrl.u32 v9, $0x1A;
	v8 =	vshll.u32 v8, $0x6  }
0x60: {  	v6 =	vadd.s32 v6, v7;
	v13 =	vshrl.u32 v7, $0x1A;
	v9 =	vshll.u32 v9, $0x6  }
0x61: {  	v2 =	vor.u32 v10, v2;
	v7 =	vshll.u32 v7, $0x6;
	v8 =	vor.u32 v11, v8  }
0x62: {  	v2 =	vxor.u32 v3, v2;
	v7 =	vor.u32 v13, v7;
	v9 =	vor.u32 v12, v9  }
0x63: {  	v7 =	vxor.u32 v6, v7;
	v9 =	vxor.u32 v4, v9;
	v8 =	vxor.u32 v5, v8  }
0x64: {  	v2 =	vadd.s32 $0x2D, v2;
	v9 =	vadd.s32 $0x2D, v9;
	v8 =	vadd.s32 $0x2D, v8  }
0x65: {  	v3 =	vadd.s32 v3, v2;
	v10 =	vshrl.u32 v2, $0xF;
	v7 =	vadd.s32 $0x2D, v7  }
0x66: {  	v2 =	vshll.u32 v2, $0x11;
	v5 =	vadd.s32 v5, v8;
	v11 =	vshrl.u32 v8, $0xF  }
0x67: {  	v4 =	vadd.s32 v4, v9;
	v12 =	vshrl.u32 v9, $0xF;
	v8 =	vshll.u32 v8, $0x11  }
0x68: {  	v6 =	vadd.s32 v6, v7;
	v13 =	vshrl.u32 v7, $0xF;
	v9 =	vshll.u32 v9, $0x11  }
0x69: {  	v2 =	vor.u32 v10, v2;
	v7 =	vshll.u32 v7, $0x11;
	v8 =	vor.u32 v11, v8  }
0x6a: {  	v2 =	vxor.u32 v3, v2;
	v7 =	vor.u32 v13, v7;
	v9 =	vor.u32 v12, v9  }
0x6b: {  	v7 =	vxor.u32 v6, v7;
	v9 =	vxor.u32 v4, v9;
	v8 =	vxor.u32 v5, v8  }
0x6c: {  	v3 =	vadd.s32 v3, v2;
	v10 =	vshrl.u32 v2, $0x3;
	v2 =	vshll.u32 v2, $0x1D  }
0x6d: {  	v5 =	vadd.s32 v5, v8;
	v11 =	vshrl.u32 v8, $0x3;
	v8 =	vshll.u32 v8, $0x1D  }
0x6e: {  	v4 =	vadd.s32 v4, v9;
	v12 =	vshrl.u32 v9, $0x3;
	v9 =	vshll.u32 v9, $0x1D  }
0x6f: {  	v6 =	vadd.s32 v6, v7;
	v13 =	vshrl.u32 v7, $0x3;
	v7 =	vshll.u32 v7, $0x1D  }
0x70: {  	v2 =	vor.u32 v10, v2;
	v9 =	vor.u32 v12, v9;
	v8 =	vor.u32 v11, v8  }
0x71: {  	v2 =	vxor.u32 v3, v2;
	v7 =	vor.u32 v13, v7;
	v8 =	vxor.u32 v5, v8  }
0x72: {  	v3 =	vadd.s32 v3, v2;
	v7 =	vxor.u32 v6, v7;
	v9 =	vxor.u32 v4, v9  }
0x73: {  	v10 =	vshrl.u32 v2, $0x10;
	v2 =	vshll.u32 v2, $0x10;
	v5 =	vadd.s32 v5, v8  }
0x74: {  	v4 =	vadd.s32 v4, v9;
	v11 =	vshrl.u32 v8, $0x10;
	v8 =	vshll.u32 v8, $0x10  }
0x75: {  	v6 =	vadd.s32 v6, v7;
	v12 =	vshrl.u32 v9, $0x10;
	v9 =	vshll.u32 v9, $0x10  }
0x76: {  	v2 =	vor.u32 v10, v2;
	v10 =	vshrl.u32 v7, $0x10;
	v7 =	vshll.u32 v7, $0x10  }
0x77: {  	v7 =	vor.u32 v10, v7;
	v9 =	vor.u32 v12, v9;
	v8 =	vor.u32 v11, v8  }
0x78: {  	v2 =	vxor.u32 v3, v2;
	v9 =	vxor.u32 v4, v9;
	v8 =	vxor.u32 v5, v8  }
0x79: {  	v3 =	vadd.s32 v3, v2;
	v10 =	vshrl.u32 v2, $0x8;
	v7 =	vxor.u32 v6, v7  }
0x7a: {  	v2 =	vshll.u32 v2, $0x18;
	v5 =	vadd.s32 v5, v8;
	v11 =	vshrl.u32 v8, $0x8  }
0x7b: {  	v4 =	vadd.s32 v4, v9;
	v12 =	vshrl.u32 v9, $0x8;
	v8 =	vshll.u32 v8, $0x18  }
0x7c: {  	v2 =	vor.u32 v10, v2;
	v6 =	vadd.s32 v6, v7;
	v9 =	vshll.u32 v9, $0x18  }
0x7d: {  	v10 =	vshrl.u32 v7, $0x8;
	v7 =	vshll.u32 v7, $0x18;
	v2 =	vxor.u32 v3, v2  }
0x7e: {  	v9 =	vor.u32 v12, v9;
	v8 =	vor.u32 v11, v8;
	v2 =	vadd.s32 $0x1BD11BF4, v2  }
0x7f: {  	s28 =	sshll.u32 s12, $0xC;
	v3 =	vadd.s32 v2, v3;
	v11 =	vshrl.u32 v2, $0x13;
	v2 =	vshll.u32 v2, $0xD  }
0x80: {  	s13 =	sadd.s32 s5, s28;
	v7 =	vor.u32 v10, v7;
	v3 =	vadd.s32 $0x2A, v3;
	v2 =	vor.u32 v11, v2  }
0x81: {  	s13 =	sshrl.u32 s13, $0x3;
	v9 =	vxor.u32 v4, v9;
	v8 =	vxor.u32 v5, v8;
	v2 =	vxor.u32 v3, v2  }
0x82: {  	s30 =	simm.s32 $0x0;
	s29 =	sadd.s32 s1, s13;
	v7 =	vxor.u32 v6, v7;
	v10 =	vshrl.u32 v2, $0x11;
	v11 =	vshll.u32 v2, $0xF  }
0x83: {  	[tilespmem:s30], [sflag:$0x1] =	stream.linear.gather [hbm4b:s29+s30], $0x1000, $0x38;
	v8 =	vadd.s32 $0x1BD11BF4, v8;
	v2 =	vadd.s32 v3, v2;
	v3 =	vor.u32 v10, v11;
	[tilespmem:$0x2000] =	vst v63  }
0x84: {  	_ =	swait.ge [sflag:s8], $0x1000;
	v7 =	vadd.s32 $0x1BD11BF4, v7;
	v9 =	vadd.s32 $0x1BD11BF4, v9;
	v3 =	vxor.u32 v2, v3  }
0x85: {  	[sflag:s8] =	ssyncset.done $0x0;
	v6 =	vadd.s32 v7, v6;
	v10 =	vshrl.u32 v3, $0x6;
	v11 =	vshll.u32 v3, $0x1A  }
0x86: {  	s31 =	simm.s32 $0x20;
	[sflag:s8] =	ssyncadd.s32 $0xFFFFF000;
	v6 =	vadd.s32 $0x2A, v6;
	v2 =	vadd.s32 v2, v3;
	v3 =	vor.u32 v10, v11  }
0x87: {  	v10 =	vshrl.u32 v7, $0x13;
	v11 =	vld [tilespmem:s31+$0xFFFFFFE0];
	v7 =	vshll.u32 v7, $0xD;
	v3 =	vxor.u32 v2, v3  }
0x88: {  	v7 =	vor.u32 v10, v7;
	v12 =	vshrl.u32 v3, $0x1A;
	v13 =	vshll.u32 v3, $0x6  }
0x89: {  	v2 =	vadd.s32 v2, v3;
	v7 =	vxor.u32 v6, v7;
	v3 =	vor.u32 v12, v13  }
0x8a: {  	v6 =	vadd.s32 v6, v7;
	v10 =	vshrl.u32 v7, $0x11;
	v3 =	vxor.u32 v2, v3  }
0x8b: {  	v7 =	vshll.u32 v7, $0xF;
	v2 =	vadd.s32 $0x1BD11BF0, v2;
	v3 =	vadd.s32 $0x5, v3  }
0x8c: {  	v7 =	vor.u32 v10, v7;
	v2 =	vxor.u32 v2, v3;
	v3 =	vmul.f32 v11, v0  }
0x8d: {  	v4 =	vadd.s32 v9, v4;
	vm0 =	vlt.u32 v2, $0xE6666600;
	v2 =	vxor.u32 v6, v7  }
0x8e: {  	s14 =	simm.s32 $0x1020;
	v3 =	vnsel vm0, $0x0, v3;
	v7 =	vshrl.u32 v2, $0x6;
	v10 =	vshll.u32 v2, $0x1A  }
0x8f: {  	v4 =	vadd.s32 $0x2A, v4;
	v2 =	vadd.s32 v6, v2;
	[tilespmem:s14+$0xFFFFFFE0] =	vst v3;
	v3 =	vor.u32 v7, v10  }
0x90: {  	v6 =	vshrl.u32 v9, $0x13;
	v9 =	vshll.u32 v9, $0xD;
	v3 =	vxor.u32 v2, v3;
	v7 =	vld [tilespmem:s31+$0xFFFFFFF0]  }
0x91: {  	v6 =	vor.u32 v6, v9;
	v10 =	vshrl.u32 v3, $0x1A;
	v11 =	vshll.u32 v3, $0x6  }
0x92: {  	v6 =	vxor.u32 v4, v6;
	v2 =	vadd.s32 v2, v3;
	v3 =	vor.u32 v10, v11  }
0x93: {  	v4 =	vadd.s32 v4, v6;
	v9 =	vshrl.u32 v6, $0x11;
	v3 =	vxor.u32 v2, v3  }
0x94: {  	v6 =	vshll.u32 v6, $0xF;
	v2 =	vadd.s32 $0x1BD11BF0, v2;
	v3 =	vadd.s32 $0x5, v3  }
0x95: {  	v6 =	vor.u32 v9, v6;
	v2 =	vxor.u32 v2, v3;
	v3 =	vmul.f32 v7, v0  }
0x96: {  	v5 =	vadd.s32 v8, v5;
	vm13 =	vlt.u32 v2, $0xE6666600;
	v2 =	vxor.u32 v4, v6  }
0x97: {  	v3 =	vnsel vm13, $0x0, v3;
	v6 =	vshrl.u32 v2, $0x6;
	v7 =	vshll.u32 v2, $0x1A  }
0x98: {  	v5 =	vadd.s32 $0x2A, v5;
	v2 =	vadd.s32 v4, v2;
	[tilespmem:s14+$0xFFFFFFF0] =	vst v3;
	v3 =	vor.u32 v6, v7  }
0x99: {  	v4 =	vshrl.u32 v8, $0x13;
	v7 =	vshll.u32 v8, $0xD;
	v3 =	vxor.u32 v2, v3  }
0x9a: {  	v6 =	vld [tilespmem:s31+$0x0];
	v4 =	vor.u32 v4, v7;
	v8 =	vshrl.u32 v3, $0x1A;
	v9 =	vshll.u32 v3, $0x6  }
0x9b: {  	v2 =	vadd.s32 v2, v3;
	v4 =	vxor.u32 v5, v4;
	v3 =	vor.u32 v8, v9  }
0x9c: {  	v5 =	vadd.s32 v5, v4;
	v7 =	vshrl.u32 v4, $0x11;
	v3 =	vxor.u32 v2, v3  }
0x9d: {  	s16 =	sadd.s32 $0x40, s11;
	v4 =	vshll.u32 v4, $0xF;
	v2 =	vadd.s32 $0x1BD11BF0, v2;
	v3 =	vadd.s32 $0x5, v3  }
0x9e: {  	v8 =	vor.u32 s16, v1;
	v4 =	vor.u32 v7, v4;
	v2 =	vxor.u32 v2, v3  }
0x9f: {  	s17 =	sadd.s32 $0x20, s16;
	s18 =	sadd.s32 $0x30, s16;
	v3 =	vmul.f32 v6, v0;
	v6 =	vmov s16;
	s16 =	sadd.s32 $0x10, s16;
	vm14 =	vlt.u32 v2, $0xE6666600  }
0xa0: {  	v2 =	vxor.u32 v5, v4;
	v9 =	vadd.s32 s16, v1;
	v6 =	vshrl.u32 v6, $0x13  }
0xa1: {  	v3 =	vnsel vm14, $0x0, v3;
	v4 =	vshrl.u32 v2, $0x6;
	v7 =	vshll.u32 v2, $0x1A  }
0xa2: {  	v2 =	vadd.s32 v5, v2;
	v5 =	vadd.s32 s18, v1;
	[tilespmem:s14+$0x0] =	vst v3;
	v3 =	vor.u32 v4, v7  }
0xa3: {  	v4 =	vadd.s32 s17, v1;
	v12 =	vshll.u32 v5, $0xD;
	v3 =	vxor.u32 v2, v3;
	v7 =	vld [tilespmem:s31+$0x10]  }
0xa4: {  	v13 =	vshrl.u32 v4, $0x13;
	v10 =	vshrl.u32 v3, $0x1A;
	v11 =	vshll.u32 v3, $0x6  }
0xa5: {  	v14 =	vshll.u32 v4, $0xD;
	v2 =	vadd.s32 v2, v3;
	v3 =	vor.u32 v10, v11  }
0xa6: {  	v10 =	vshll.u32 v8, $0xD;
	v11 =	vshrl.u32 v5, $0x13;
	v3 =	vxor.u32 v2, v3  }
0xa7: {  	v2 =	vadd.s32 $0x1BD11BF0, v2;
	v6 =	vor.u32 v6, v10;
	v3 =	vadd.s32 $0x5, v3  }
0xa8: {  	v10 =	vshll.u32 v9, $0xD;
	v2 =	vxor.u32 v2, v3;
	v3 =	vmul.f32 v7, v0  }
0xa9: {  	v6 =	vxor.u32 v8, v6;
	v7 =	vshrl.u32 v9, $0x13;
	vm15 =	vlt.u32 v2, $0xE6666600  }
0xaa: {  	v8 =	vadd.s32 v8, v6;
	v2 =	vnsel vm15, $0x0, v3;
	v3 =	vor.u32 v7, v10  }
0xab: {  	v7 =	vor.u32 v13, v14;
	v10 =	vor.u32 v11, v12;
	v11 =	vshrl.u32 v6, $0x11  }
0xac: {  	v6 =	vshll.u32 v6, $0xF;
	v7 =	vxor.u32 v4, v7;
	v10 =	vxor.u32 v5, v10  }
0xad: {  	v3 =	vxor.u32 v9, v3;
	v6 =	vor.u32 v11, v6;
	v5 =	vadd.s32 v5, v10  }
0xae: {  	v12 =	vshrl.u32 v10, $0x11;
	v4 =	vadd.s32 v4, v7;
	v13 =	vshrl.u32 v7, $0x11  }
0xaf: {  	v10 =	vshll.u32 v10, $0xF;
	v9 =	vadd.s32 v9, v3;
	v14 =	vshrl.u32 v3, $0x11  }
0xb0: {  	v7 =	vshll.u32 v7, $0xF;
	v3 =	vshll.u32 v3, $0xF;
	v6 =	vxor.u32 v8, v6  }
0xb1: {  	v10 =	vor.u32 v12, v10;
	v3 =	vor.u32 v14, v3;
	v7 =	vor.u32 v13, v7  }
0xb2: {  	v8 =	vadd.s32 v8, v6;
	v11 =	vshrl.u32 v6, $0x6;
	v6 =	vshll.u32 v6, $0x1A  }
0xb3: {  	v3 =	vxor.u32 v9, v3;
	v7 =	vxor.u32 v4, v7;
	v10 =	vxor.u32 v5, v10  }
0xb4: {  	v6 =	vor.u32 v11, v6;
	v5 =	vadd.s32 v5, v10;
	v12 =	vshrl.u32 v10, $0x6  }
0xb5: {  	v10 =	vshll.u32 v10, $0x1A;
	v4 =	vadd.s32 v4, v7;
	v13 =	vshrl.u32 v7, $0x6  }
0xb6: {  	v7 =	vshll.u32 v7, $0x1A;
	v9 =	vadd.s32 v9, v3;
	v14 =	vshrl.u32 v3, $0x6  }
0xb7: {  	v3 =	vshll.u32 v3, $0x1A;
	v6 =	vxor.u32 v8, v6;
	v7 =	vor.u32 v13, v7  }
0xb8: {  	v10 =	vor.u32 v12, v10;
	v3 =	vor.u32 v14, v3;
	v8 =	vadd.s32 v8, v6  }
0xb9: {  	v11 =	vshrl.u32 v6, $0x1A;
	v6 =	vshll.u32 v6, $0x6;
	v10 =	vxor.u32 v5, v10  }
0xba: {  	v3 =	vxor.u32 v9, v3;
	v7 =	vxor.u32 v4, v7;
	v6 =	vor.u32 v11, v6  }
0xbb: {  	v5 =	vadd.s32 v5, v10;
	v4 =	vadd.s32 v4, v7;
	v12 =	vshrl.u32 v10, $0x1A  }
0xbc: {  	v10 =	vshll.u32 v10, $0x6;
	v9 =	vadd.s32 v9, v3;
	v13 =	vshrl.u32 v7, $0x1A  }
0xbd: {  	v7 =	vshll.u32 v7, $0x6;
	v11 =	vshrl.u32 v3, $0x1A;
	v3 =	vshll.u32 v3, $0x6  }
0xbe: {  	v6 =	vxor.u32 v8, v6;
	v3 =	vor.u32 v11, v3;
	v7 =	vor.u32 v13, v7  }
0xbf: {  	v10 =	vor.u32 v12, v10;
	v6 =	vadd.s32 $0x1BD11BF1, v6;
	v7 =	vxor.u32 v4, v7  }
0xc0: {  	v10 =	vxor.u32 v5, v10;
	v3 =	vxor.u32 v9, v3;
	v8 =	vadd.s32 v6, v8  }
0xc1: {  	v11 =	vshrl.u32 v6, $0xF;
	v6 =	vshll.u32 v6, $0x11;
	v10 =	vadd.s32 $0x1BD11BF1, v10  }
0xc2: {  	v3 =	vadd.s32 $0x1BD11BF1, v3;
	v7 =	vadd.s32 $0x1BD11BF1, v7;
	v8 =	vadd.s32 $0x2A, v8  }
0xc3: {  	v6 =	vor.u32 v11, v6;
	v5 =	vadd.s32 v10, v5;
	v4 =	vadd.s32 v7, v4  }
0xc4: {  	v12 =	vshrl.u32 v10, $0xF;
	v10 =	vshll.u32 v10, $0x11;
	v9 =	vadd.s32 v3, v9  }
0xc5: {  	v13 =	vshrl.u32 v7, $0xF;
	v7 =	vshll.u32 v7, $0x11;
	v14 =	vshrl.u32 v3, $0xF  }
0xc6: {  	v3 =	vshll.u32 v3, $0x11;
	v6 =	vxor.u32 v8, v6;
	v5 =	vadd.s32 $0x2A, v5  }
0xc7: {  	v10 =	vor.u32 v12, v10;
	v9 =	vadd.s32 $0x2A, v9;
	v4 =	vadd.s32 $0x2A, v4  }
0xc8: {  	v7 =	vor.u32 v13, v7;
	v3 =	vor.u32 v14, v3;
	v8 =	vadd.s32 v8, v6  }
0xc9: {  	v11 =	vshrl.u32 v6, $0x3;
	v6 =	vshll.u32 v6, $0x1D;
	v10 =	vxor.u32 v5, v10  }
0xca: {  	v3 =	vxor.u32 v9, v3;
	v7 =	vxor.u32 v4, v7;
	v6 =	vor.u32 v11, v6  }
0xcb: {  	v5 =	vadd.s32 v5, v10;
	v4 =	vadd.s32 v4, v7;
	v12 =	vshrl.u32 v10, $0x3  }
0xcc: {  	v10 =	vshll.u32 v10, $0x1D;
	v9 =	vadd.s32 v9, v3;
	v13 =	vshrl.u32 v7, $0x3  }
0xcd: {  	v7 =	vshll.u32 v7, $0x1D;
	v11 =	vshrl.u32 v3, $0x3;
	v3 =	vshll.u32 v3, $0x1D  }
0xce: {  	v6 =	vxor.u32 v8, v6;
	v3 =	vor.u32 v11, v3;
	v7 =	vor.u32 v13, v7  }
0xcf: {  	v10 =	vor.u32 v12, v10;
	v8 =	vadd.s32 v8, v6;
	v11 =	vshrl.u32 v6, $0x10  }
0xd0: {  	v6 =	vshll.u32 v6, $0x10;
	v7 =	vxor.u32 v4, v7;
	v10 =	vxor.u32 v5, v10  }
0xd1: {  	v3 =	vxor.u32 v9, v3;
	v6 =	vor.u32 v11, v6;
	v5 =	vadd.s32 v5, v10  }
0xd2: {  	v12 =	vshrl.u32 v10, $0x10;
	v4 =	vadd.s32 v4, v7;
	v13 =	vshrl.u32 v7, $0x10  }
0xd3: {  	v10 =	vshll.u32 v10, $0x10;
	v9 =	vadd.s32 v9, v3;
	v14 =	vshrl.u32 v3, $0x10  }
0xd4: {  	v7 =	vshll.u32 v7, $0x10;
	v3 =	vshll.u32 v3, $0x10;
	v6 =	vxor.u32 v8, v6  }
0xd5: {  	v10 =	vor.u32 v12, v10;
	v3 =	vor.u32 v14, v3;
	v7 =	vor.u32 v13, v7  }
0xd6: {  	v8 =	vadd.s32 v8, v6;
	v11 =	vxor.u32 v9, v3;
	v7 =	vxor.u32 v4, v7  }
0xd7: {  	v3 =	vxor.u32 v5, v10;
	v10 =	vshrl.u32 v6, $0x8;
	v6 =	vshll.u32 v6, $0x18  }
0xd8: {  	v12 =	vadd.s32 v5, v3;
	v5 =	vshrl.u32 v3, $0x8;
	v13 =	vshll.u32 v3, $0x18  }
0xd9: {  	v3 =	vadd.s32 v4, v7;
	v14 =	vshrl.u32 v7, $0x8;
	v7 =	vshll.u32 v7, $0x18  }
0xda: {  	v4 =	vadd.s32 v9, v11;
	v9 =	vshrl.u32 v11, $0x8;
	v11 =	vshll.u32 v11, $0x18  }
0xdb: {  	v6 =	vor.u32 v10, v6;
	v7 =	vor.u32 v14, v7;
	v5 =	vor.u32 v5, v13  }
0xdc: {  	v6 =	vxor.u32 v8, v6;
	v9 =	vor.u32 v9, v11;
	v10 =	vxor.u32 v12, v5  }
0xdd: {  	v6 =	vadd.s32 $0x2, v6;
	v5 =	vxor.u32 v4, v9;
	v7 =	vxor.u32 v3, v7  }
0xde: {  	v5 =	vadd.s32 $0x2, v5;
	v11 =	vadd.s32 $0x2, v7;
	v9 =	vadd.s32 $0x2, v10  }
0xdf: {  	s15 =	simm.s32 $0x60;
	[tilespmem:s14+$0x10] =	vst v2;
	v7 =	vadd.s32 v6, v8;
	v8 =	vshrl.u32 v6, $0x13;
	v10 =	vshll.u32 v6, $0xD  }
0xe0: {  	s16 =	simm.s32 $0x80;
	v2 =	vld [tilespmem:s15+$0xFFFFFFE0];
	v12 =	vadd.s32 v9, v12;
	v6 =	vshrl.u32 v9, $0x13;
	v9 =	vshll.u32 v9, $0xD  }
.LBB2_3:
0xe1: {  	p0 =	sne.s32 s16, $0xFC0;
	v3 =	vadd.s32 v11, v3;
	v13 =	vshrl.u32 v11, $0x13;
	v11 =	vshll.u32 v11, $0xD  }
0xe2: {  	v4 =	vadd.s32 v5, v4;
	v14 =	vshrl.u32 v5, $0x13;
	v5 =	vshll.u32 v5, $0xD  }
0xe3: {  	v7 =	vadd.s32 $0x1BD11BF0, v7;
	v8 =	vor.u32 v8, v10;
	v10 =	vadd.s32 $0x1BD11BF0, v12  }
0xe4: {  	v6 =	vor.u32 v6, v9;
	v3 =	vadd.s32 $0x1BD11BF0, v3;
	v11 =	vor.u32 v13, v11  }
0xe5: {  	v8 =	vxor.u32 v7, v8;
	v4 =	vadd.s32 $0x1BD11BF0, v4;
	v5 =	vor.u32 v14, v5  }
0xe6: {  	v6 =	vxor.u32 v10, v6;
	v5 =	vxor.u32 v4, v5;
	v9 =	vxor.u32 v3, v11  }
0xe7: {  	v7 =	vadd.s32 v7, v8;
	v11 =	vshrl.u32 v8, $0x11;
	v8 =	vshll.u32 v8, $0xF  }
0xe8: {  	v10 =	vadd.s32 v10, v6;
	v12 =	vshrl.u32 v6, $0x11;
	v6 =	vshll.u32 v6, $0xF  }
0xe9: {  	v3 =	vadd.s32 v3, v9;
	v13 =	vshrl.u32 v9, $0x11;
	v9 =	vshll.u32 v9, $0xF  }
0xea: {  	v4 =	vadd.s32 v4, v5;
	v14 =	vshrl.u32 v5, $0x11;
	v5 =	vshll.u32 v5, $0xF  }
0xeb: {  	v8 =	vor.u32 v11, v8;
	v6 =	vor.u32 v12, v6;
	v9 =	vor.u32 v13, v9  }
0xec: {  	v8 =	vxor.u32 v7, v8;
	v5 =	vor.u32 v14, v5;
	v6 =	vxor.u32 v10, v6  }
0xed: {  	v7 =	vadd.s32 v7, v8;
	v5 =	vxor.u32 v4, v5;
	v9 =	vxor.u32 v3, v9  }
0xee: {  	v11 =	vshrl.u32 v8, $0x6;
	v8 =	vshll.u32 v8, $0x1A;
	v10 =	vadd.s32 v10, v6  }
0xef: {  	v12 =	vshrl.u32 v6, $0x6;
	v6 =	vshll.u32 v6, $0x1A;
	v3 =	vadd.s32 v3, v9  }
0xf0: {  	v4 =	vadd.s32 v4, v5;
	v13 =	vshrl.u32 v9, $0x6;
	v9 =	vshll.u32 v9, $0x1A  }
0xf1: {  	v8 =	vor.u32 v11, v8;
	v11 =	vshrl.u32 v5, $0x6;
	v5 =	vshll.u32 v5, $0x1A  }
0xf2: {  	v6 =	vor.u32 v12, v6;
	v5 =	vor.u32 v11, v5;
	v9 =	vor.u32 v13, v9  }
0xf3: {  	v8 =	vxor.u32 v7, v8;
	v6 =	vxor.u32 v10, v6;
	v9 =	vxor.u32 v3, v9  }
0xf4: {  	v7 =	vadd.s32 v7, v8;
	v11 =	vshrl.u32 v8, $0x1A;
	v5 =	vxor.u32 v4, v5  }
0xf5: {  	v8 =	vshll.u32 v8, $0x6;
	v10 =	vadd.s32 v10, v6;
	v12 =	vshrl.u32 v6, $0x1A  }
0xf6: {  	v6 =	vshll.u32 v6, $0x6;
	v3 =	vadd.s32 v3, v9;
	v13 =	vshrl.u32 v9, $0x1A  }
0xf7: {  	v4 =	vadd.s32 v4, v5;
	v14 =	vshrl.u32 v5, $0x1A;
	v9 =	vshll.u32 v9, $0x6  }
0xf8: {  	v8 =	vor.u32 v11, v8;
	v5 =	vshll.u32 v5, $0x6;
	v6 =	vor.u32 v12, v6  }
0xf9: {  	v8 =	vxor.u32 v7, v8;
	v5 =	vor.u32 v14, v5;
	v9 =	vor.u32 v13, v9  }
0xfa: {  	v6 =	vxor.u32 v10, v6;
	v5 =	vxor.u32 v4, v5;
	v9 =	vxor.u32 v3, v9  }
0xfb: {  	v8 =	vadd.s32 $0x2D, v8;
	v6 =	vadd.s32 $0x2D, v6;
	v9 =	vadd.s32 $0x2D, v9  }
0xfc: {  	v7 =	vadd.s32 v7, v8;
	v11 =	vshrl.u32 v8, $0xF;
	v5 =	vadd.s32 $0x2D, v5  }
0xfd: {  	v8 =	vshll.u32 v8, $0x11;
	v10 =	vadd.s32 v10, v6;
	v12 =	vshrl.u32 v6, $0xF  }
0xfe: {  	v6 =	vshll.u32 v6, $0x11;
	v3 =	vadd.s32 v3, v9;
	v13 =	vshrl.u32 v9, $0xF  }
0xff: {  	v4 =	vadd.s32 v4, v5;
	v14 =	vshrl.u32 v5, $0xF;
	v9 =	vshll.u32 v9, $0x11  }
0x100: {  	v8 =	vor.u32 v11, v8;
	v5 =	vshll.u32 v5, $0x11;
	v6 =	vor.u32 v12, v6  }
0x101: {  	v8 =	vxor.u32 v7, v8;
	v5 =	vor.u32 v14, v5;
	v9 =	vor.u32 v13, v9  }
0x102: {  	v6 =	vxor.u32 v10, v6;
	v5 =	vxor.u32 v4, v5;
	v9 =	vxor.u32 v3, v9  }
0x103: {  	v7 =	vadd.s32 v7, v8;
	v11 =	vshrl.u32 v8, $0x3;
	v8 =	vshll.u32 v8, $0x1D  }
0x104: {  	v10 =	vadd.s32 v10, v6;
	v12 =	vshrl.u32 v6, $0x3;
	v6 =	vshll.u32 v6, $0x1D  }
0x105: {  	v3 =	vadd.s32 v3, v9;
	v13 =	vshrl.u32 v9, $0x3;
	v9 =	vshll.u32 v9, $0x1D  }
0x106: {  	v4 =	vadd.s32 v4, v5;
	v14 =	vshrl.u32 v5, $0x3;
	v5 =	vshll.u32 v5, $0x1D  }
0x107: {  	v8 =	vor.u32 v11, v8;
	v6 =	vor.u32 v12, v6;
	v9 =	vor.u32 v13, v9  }
0x108: {  	v8 =	vxor.u32 v7, v8;
	v5 =	vor.u32 v14, v5;
	v6 =	vxor.u32 v10, v6  }
0x109: {  	v7 =	vadd.s32 v7, v8;
	v5 =	vxor.u32 v4, v5;
	v9 =	vxor.u32 v3, v9  }
0x10a: {  	v11 =	vshrl.u32 v8, $0x10;
	v8 =	vshll.u32 v8, $0x10;
	v10 =	vadd.s32 v10, v6  }
0x10b: {  	v12 =	vshrl.u32 v6, $0x10;
	v6 =	vshll.u32 v6, $0x10;
	v3 =	vadd.s32 v3, v9  }
0x10c: {  	v4 =	vadd.s32 v4, v5;
	v13 =	vshrl.u32 v9, $0x10;
	v9 =	vshll.u32 v9, $0x10  }
0x10d: {  	v8 =	vor.u32 v11, v8;
	v11 =	vshrl.u32 v5, $0x10;
	v5 =	vshll.u32 v5, $0x10  }
0x10e: {  	v6 =	vor.u32 v12, v6;
	v5 =	vor.u32 v11, v5;
	v9 =	vor.u32 v13, v9  }
0x10f: {  	v8 =	vxor.u32 v7, v8;
	v6 =	vxor.u32 v10, v6;
	v9 =	vxor.u32 v3, v9  }
0x110: {  	v7 =	vadd.s32 v7, v8;
	v11 =	vshrl.u32 v8, $0x8;
	v5 =	vxor.u32 v4, v5  }
0x111: {  	v8 =	vshll.u32 v8, $0x18;
	v10 =	vadd.s32 v10, v6;
	v12 =	vshrl.u32 v6, $0x8  }
0x112: {  	v6 =	vshll.u32 v6, $0x18;
	v3 =	vadd.s32 v3, v9;
	v13 =	vshrl.u32 v9, $0x8  }
0x113: {  	v8 =	vor.u32 v11, v8;
	v4 =	vadd.s32 v4, v5;
	v9 =	vshll.u32 v9, $0x18  }
0x114: {  	v11 =	vshrl.u32 v5, $0x8;
	v5 =	vshll.u32 v5, $0x18;
	v8 =	vxor.u32 v7, v8  }
0x115: {  	v6 =	vor.u32 v12, v6;
	v9 =	vor.u32 v13, v9;
	v8 =	vadd.s32 $0x1BD11BF4, v8  }
0x116: {  	v7 =	vadd.s32 v8, v7;
	v12 =	vshrl.u32 v8, $0x13;
	v8 =	vshll.u32 v8, $0xD  }
0x117: {  	v5 =	vor.u32 v11, v5;
	v7 =	vadd.s32 $0x2A, v7;
	v8 =	vor.u32 v12, v8  }
0x118: {  	v6 =	vxor.u32 v10, v6;
	v9 =	vxor.u32 v3, v9;
	v8 =	vxor.u32 v7, v8  }
0x119: {  	v5 =	vxor.u32 v4, v5;
	v11 =	vshrl.u32 v8, $0x11;
	v12 =	vshll.u32 v8, $0xF  }
0x11a: {  	v6 =	vadd.s32 $0x1BD11BF4, v6;
	v7 =	vadd.s32 v7, v8;
	v8 =	vor.u32 v11, v12  }
0x11b: {  	v5 =	vadd.s32 $0x1BD11BF4, v5;
	v9 =	vadd.s32 $0x1BD11BF4, v9;
	v8 =	vxor.u32 v7, v8  }
0x11c: {  	v4 =	vadd.s32 v5, v4;
	v11 =	vshrl.u32 v8, $0x6;
	v12 =	vshll.u32 v8, $0x1A  }
0x11d: {  	v7 =	vadd.s32 v7, v8;
	v8 =	vor.u32 v11, v12;
	v11 =	vshrl.u32 v5, $0x13  }
0x11e: {  	v4 =	vadd.s32 $0x2A, v4;
	v5 =	vshll.u32 v5, $0xD;
	v8 =	vxor.u32 v7, v8  }
0x11f: {  	v5 =	vor.u32 v11, v5;
	v12 =	vshrl.u32 v8, $0x1A;
	v13 =	vshll.u32 v8, $0x6  }
0x120: {  	v7 =	vadd.s32 v7, v8;
	v5 =	vxor.u32 v4, v5;
	v8 =	vor.u32 v12, v13  }
0x121: {  	v4 =	vadd.s32 v4, v5;
	v11 =	vshrl.u32 v5, $0x11;
	v8 =	vxor.u32 v7, v8  }
0x122: {  	v5 =	vshll.u32 v5, $0xF;
	v7 =	vadd.s32 $0x1BD11BF0, v7;
	v8 =	vadd.s32 $0x5, v8  }
0x123: {  	v2 =	vmul.f32 v2, v0;
	v5 =	vor.u32 v11, v5;
	v7 =	vxor.u32 v7, v8  }
0x124: {  	v3 =	vadd.s32 v9, v3;
	v5 =	vxor.u32 v4, v5;
	vm0 =	vlt.u32 v7, $0xE6666600  }
0x125: {  	s14 =	sadd.s32 $0x40, s14;
	v8 =	vshll.u32 v5, $0x1A;
	v7 =	vshrl.u32 v5, $0x6;
	v2 =	vnsel vm0, $0x0, v2  }
0x126: {  	[tilespmem:s14+$0xFFFFFFE0] =	vst v2;
	v2 =	vadd.s32 v4, v5;
	v4 =	vor.u32 v7, v8;
	v5 =	vshrl.u32 v9, $0x13  }
0x127: {  	v3 =	vadd.s32 $0x2A, v3;
	v8 =	vshll.u32 v9, $0xD;
	v4 =	vxor.u32 v2, v4;
	v7 =	vld [tilespmem:s15+$0xFFFFFFF0]  }
0x128: {  	v5 =	vor.u32 v5, v8;
	v9 =	vshrl.u32 v4, $0x1A;
	v11 =	vshll.u32 v4, $0x6  }
0x129: {  	v2 =	vadd.s32 v2, v4;
	v5 =	vxor.u32 v3, v5;
	v4 =	vor.u32 v9, v11  }
0x12a: {  	v3 =	vadd.s32 v3, v5;
	v8 =	vshrl.u32 v5, $0x11;
	v4 =	vxor.u32 v2, v4  }
0x12b: {  	v5 =	vshll.u32 v5, $0xF;
	v2 =	vadd.s32 $0x1BD11BF0, v2;
	v4 =	vadd.s32 $0x5, v4  }
0x12c: {  	v5 =	vor.u32 v8, v5;
	v2 =	vxor.u32 v2, v4;
	v4 =	vmul.f32 v7, v0  }
0x12d: {  	vm0 =	vlt.u32 v2, $0xE6666600;
	v2 =	vxor.u32 v3, v5;
	v5 =	vadd.s32 v6, v10  }
0x12e: {  	v4 =	vnsel vm0, $0x0, v4;
	v7 =	vshrl.u32 v2, $0x6;
	v8 =	vshll.u32 v2, $0x1A  }
0x12f: {  	v2 =	vadd.s32 v3, v2;
	[tilespmem:s14+$0xFFFFFFF0] =	vst v4;
	v3 =	vor.u32 v7, v8;
	v4 =	vshrl.u32 v6, $0x13  }
0x130: {  	v5 =	vadd.s32 $0x2A, v5;
	v6 =	vshll.u32 v6, $0xD;
	v3 =	vxor.u32 v2, v3;
	v7 =	vld [tilespmem:s15+$0x0]  }
0x131: {  	v4 =	vor.u32 v4, v6;
	v8 =	vshrl.u32 v3, $0x1A;
	v9 =	vshll.u32 v3, $0x6  }
0x132: {  	v2 =	vadd.s32 v2, v3;
	v4 =	vxor.u32 v5, v4;
	v3 =	vor.u32 v8, v9  }
0x133: {  	v5 =	vadd.s32 v5, v4;
	v6 =	vshrl.u32 v4, $0x11;
	v3 =	vxor.u32 v2, v3  }
0x134: {  	v4 =	vshll.u32 v4, $0xF;
	v2 =	vadd.s32 $0x1BD11BF0, v2;
	v3 =	vadd.s32 $0x5, v3  }
0x135: {  	s17 =	sadd.s32 s16, s11;
	v4 =	vor.u32 v6, v4;
	v2 =	vxor.u32 v2, v3;
	v3 =	vmul.f32 v7, v0  }
0x136: {  	v6 =	vmov s17;
	vm0 =	vlt.u32 v2, $0xE6666600;
	v2 =	vxor.u32 v5, v4  }
0x137: {  	v3 =	vnsel vm0, $0x0, v3;
	v4 =	vshrl.u32 v2, $0x6;
	v7 =	vshll.u32 v2, $0x1A  }
0x138: {  	s18 =	sadd.s32 $0x20, s17;
	s19 =	sadd.s32 $0x30, s17;
	v8 =	vor.u32 s17, v1;
	v2 =	vadd.s32 v5, v2;
	[tilespmem:s14+$0x0] =	vst v3;
	v3 =	vor.u32 v4, v7  }
0x139: {  	s17 =	sadd.s32 $0x10, s17;
	v5 =	vadd.s32 s19, v1;
	v4 =	vadd.s32 s18, v1;
	v3 =	vxor.u32 v2, v3;
	v7 =	vld [tilespmem:s15+$0x10]  }
0x13a: {  	v9 =	vadd.s32 s17, v1;
	v10 =	vshrl.u32 v3, $0x1A;
	v11 =	vshll.u32 v3, $0x6  }
0x13b: {  	v6 =	vshrl.u32 v6, $0x13;
	v2 =	vadd.s32 v2, v3;
	v3 =	vor.u32 v10, v11  }
0x13c: {  	v10 =	vshll.u32 v8, $0xD;
	v11 =	vshrl.u32 v5, $0x13;
	v3 =	vxor.u32 v2, v3  }
0x13d: {  	v12 =	vshll.u32 v5, $0xD;
	v2 =	vadd.s32 $0x1BD11BF0, v2;
	v3 =	vadd.s32 $0x5, v3  }
0x13e: {  	v13 =	vshrl.u32 v4, $0x13;
	v2 =	vxor.u32 v2, v3;
	v3 =	vmul.f32 v7, v0  }
0x13f: {  	v14 =	vshll.u32 v4, $0xD;
	v7 =	vshrl.u32 v9, $0x13;
	vm0 =	vlt.u32 v2, $0xE6666600  }
0x140: {  	v2 =	vor.u32 v6, v10;
	v6 =	vshll.u32 v9, $0xD;
	v3 =	vnsel vm0, $0x0, v3  }
0x141: {  	s15 =	sadd.s32 $0x40, s15;
	v10 =	vor.u32 v11, v12;
	v6 =	vor.u32 v7, v6;
	v7 =	vor.u32 v13, v14;
	[tilespmem:s14+$0x10] =	vst v3  }
0x142: {  	v10 =	vxor.u32 v5, v10;
	v3 =	vxor.u32 v8, v2;
	v7 =	vxor.u32 v4, v7;
	v2 =	vld [tilespmem:s15+$0xFFFFFFE0]  }
0x143: {  	v6 =	vxor.u32 v9, v6;
	v8 =	vadd.s32 v8, v3;
	v11 =	vshrl.u32 v3, $0x11  }
0x144: {  	v5 =	vadd.s32 v5, v10;
	v12 =	vshrl.u32 v10, $0x11;
	v3 =	vshll.u32 v3, $0xF  }
0x145: {  	v10 =	vshll.u32 v10, $0xF;
	v4 =	vadd.s32 v4, v7;
	v13 =	vshrl.u32 v7, $0x11  }
0x146: {  	v9 =	vadd.s32 v9, v6;
	v14 =	vshrl.u32 v6, $0x11;
	v7 =	vshll.u32 v7, $0xF  }
0x147: {  	v6 =	vshll.u32 v6, $0xF;
	v10 =	vor.u32 v12, v10;
	v3 =	vor.u32 v11, v3  }
0x148: {  	v6 =	vor.u32 v14, v6;
	v7 =	vor.u32 v13, v7;
	v3 =	vxor.u32 v8, v3  }
0x149: {  	v10 =	vxor.u32 v5, v10;
	v6 =	vxor.u32 v9, v6;
	v7 =	vxor.u32 v4, v7  }
0x14a: {  	v8 =	vadd.s32 v8, v3;
	v11 =	vshrl.u32 v3, $0x6;
	v3 =	vshll.u32 v3, $0x1A  }
0x14b: {  	v5 =	vadd.s32 v5, v10;
	v12 =	vshrl.u32 v10, $0x6;
	v10 =	vshll.u32 v10, $0x1A  }
0x14c: {  	v4 =	vadd.s32 v4, v7;
	v13 =	vshrl.u32 v7, $0x6;
	v7 =	vshll.u32 v7, $0x1A  }
0x14d: {  	v9 =	vadd.s32 v9, v6;
	v14 =	vshrl.u32 v6, $0x6;
	v6 =	vshll.u32 v6, $0x1A  }
0x14e: {  	v10 =	vor.u32 v12, v10;
	v3 =	vor.u32 v11, v3;
	v7 =	vor.u32 v13, v7  }
0x14f: {  	v6 =	vor.u32 v14, v6;
	v10 =	vxor.u32 v5, v10;
	v3 =	vxor.u32 v8, v3  }
0x150: {  	v6 =	vxor.u32 v9, v6;
	v7 =	vxor.u32 v4, v7;
	v8 =	vadd.s32 v8, v3  }
0x151: {  	v5 =	vadd.s32 v5, v10;
	v11 =	vshrl.u32 v3, $0x1A;
	v3 =	vshll.u32 v3, $0x6  }
0x152: {  	v12 =	vshrl.u32 v10, $0x1A;
	v10 =	vshll.u32 v10, $0x6;
	v4 =	vadd.s32 v4, v7  }
0x153: {  	v9 =	vadd.s32 v9, v6;
	v13 =	vshrl.u32 v7, $0x1A;
	v7 =	vshll.u32 v7, $0x6  }
0x154: {  	v3 =	vor.u32 v11, v3;
	v11 =	vshrl.u32 v6, $0x1A;
	v6 =	vshll.u32 v6, $0x6  }
0x155: {  	v10 =	vor.u32 v12, v10;
	v7 =	vor.u32 v13, v7;
	v6 =	vor.u32 v11, v6  }
0x156: {  	v10 =	vxor.u32 v5, v10;
	v3 =	vxor.u32 v8, v3;
	v7 =	vxor.u32 v4, v7  }
0x157: {  	v10 =	vadd.s32 $0x1BD11BF1, v10;
	v3 =	vadd.s32 $0x1BD11BF1, v3;
	v6 =	vxor.u32 v9, v6  }
0x158: {  	v7 =	vadd.s32 $0x1BD11BF1, v7;
	v8 =	vadd.s32 v3, v8;
	v6 =	vadd.s32 $0x1BD11BF1, v6  }
0x159: {  	v5 =	vadd.s32 v10, v5;
	v11 =	vshrl.u32 v3, $0xF;
	v3 =	vshll.u32 v3, $0x11  }
0x15a: {  	v12 =	vshrl.u32 v10, $0xF;
	v10 =	vshll.u32 v10, $0x11;
	v4 =	vadd.s32 v7, v4  }
0x15b: {  	v13 =	vshrl.u32 v7, $0xF;
	v7 =	vshll.u32 v7, $0x11;
	v9 =	vadd.s32 v6, v9  }
0x15c: {  	v8 =	vadd.s32 $0x2A, v8;
	v14 =	vshrl.u32 v6, $0xF;
	v6 =	vshll.u32 v6, $0x11  }
0x15d: {  	v5 =	vadd.s32 $0x2A, v5;
	v10 =	vor.u32 v12, v10;
	v3 =	vor.u32 v11, v3  }
0x15e: {  	v4 =	vadd.s32 $0x2A, v4;
	v7 =	vor.u32 v13, v7;
	v9 =	vadd.s32 $0x2A, v9  }
0x15f: {  	v10 =	vxor.u32 v5, v10;
	v3 =	vxor.u32 v8, v3;
	v6 =	vor.u32 v14, v6  }
0x160: {  	v7 =	vxor.u32 v4, v7;
	v8 =	vadd.s32 v8, v3;
	v6 =	vxor.u32 v9, v6  }
0x161: {  	v5 =	vadd.s32 v5, v10;
	v11 =	vshrl.u32 v3, $0x3;
	v3 =	vshll.u32 v3, $0x1D  }
0x162: {  	v12 =	vshrl.u32 v10, $0x3;
	v10 =	vshll.u32 v10, $0x1D;
	v4 =	vadd.s32 v4, v7  }
0x163: {  	v13 =	vshrl.u32 v7, $0x3;
	v7 =	vshll.u32 v7, $0x1D;
	v9 =	vadd.s32 v9, v6  }
0x164: {  	v3 =	vor.u32 v11, v3;
	v11 =	vshrl.u32 v6, $0x3;
	v6 =	vshll.u32 v6, $0x1D  }
0x165: {  	v10 =	vor.u32 v12, v10;
	v7 =	vor.u32 v13, v7;
	v6 =	vor.u32 v11, v6  }
0x166: {  	v10 =	vxor.u32 v5, v10;
	v3 =	vxor.u32 v8, v3;
	v7 =	vxor.u32 v4, v7  }
0x167: {  	v8 =	vadd.s32 v8, v3;
	v11 =	vshrl.u32 v3, $0x10;
	v6 =	vxor.u32 v9, v6  }
0x168: {  	v5 =	vadd.s32 v5, v10;
	v12 =	vshrl.u32 v10, $0x10;
	v3 =	vshll.u32 v3, $0x10  }
0x169: {  	v10 =	vshll.u32 v10, $0x10;
	v4 =	vadd.s32 v4, v7;
	v13 =	vshrl.u32 v7, $0x10  }
0x16a: {  	v7 =	vshll.u32 v7, $0x10;
	v9 =	vadd.s32 v9, v6;
	v14 =	vshrl.u32 v6, $0x10  }
0x16b: {  	v10 =	vor.u32 v12, v10;
	v3 =	vor.u32 v11, v3;
	v6 =	vshll.u32 v6, $0x10  }
0x16c: {  	v7 =	vor.u32 v13, v7;
	v3 =	vxor.u32 v8, v3;
	v6 =	vor.u32 v14, v6  }
0x16d: {  	v10 =	vxor.u32 v5, v10;
	v7 =	vxor.u32 v4, v7;
	v6 =	vxor.u32 v9, v6  }
0x16e: {  	v8 =	vadd.s32 v8, v3;
	v11 =	vshrl.u32 v3, $0x8;
	v12 =	vshll.u32 v3, $0x18  }
0x16f: {  	v13 =	vadd.s32 v5, v10;
	v5 =	vshrl.u32 v10, $0x8;
	v10 =	vshll.u32 v10, $0x18  }
0x170: {  	v3 =	vadd.s32 v4, v7;
	v14 =	vshrl.u32 v7, $0x8;
	v7 =	vshll.u32 v7, $0x18  }
0x171: {  	v4 =	vadd.s32 v9, v6;
	v9 =	vshrl.u32 v6, $0x8;
	v6 =	vshll.u32 v6, $0x18  }
0x172: {  	v5 =	vor.u32 v5, v10;
	v11 =	vor.u32 v11, v12;
	v7 =	vor.u32 v14, v7  }
.Ltmp0:
0x173: {  	v10 =	vxor.u32 v8, v11;
	v6 =	vor.u32 v9, v6;
	v9 =	vxor.u32 v13, v5;
	(pc) =	sbr.rel @p0 .LBB2_3-.Ltmp0, $4  }
0x174: {  	v10 =	vadd.s32 $0x2, v10;
	v5 =	vxor.u32 v4, v6;
	v6 =	vxor.u32 v3, v7  }
0x175: {  	v9 =	vadd.s32 $0x2, v9;
	v5 =	vadd.s32 $0x2, v5;
	v11 =	vadd.s32 $0x2, v6  }
0x176: {  	v7 =	vadd.s32 v10, v8;
	v8 =	vshrl.u32 v10, $0x13;
	v10 =	vshll.u32 v10, $0xD  }
0x177: {  	s16 =	sadd.s32 $0x40, s16;
	v12 =	vadd.s32 v9, v13;
	v6 =	vshrl.u32 v9, $0x13;
	v9 =	vshll.u32 v9, $0xD  }
0x178: {  	v3 =	vadd.s32 v11, v3;
	v13 =	vshrl.u32 v11, $0x13;
	v45 =	vshll.u32 v11, $0xD  }
0x179: {  	v4 =	vadd.s32 v5, v4;
	v14 =	vshrl.u32 v5, $0x13;
	v46 =	vshll.u32 v5, $0xD  }
0x17a: {  	v7 =	vadd.s32 $0x1BD11BF0, v7;
	v8 =	vor.u32 v8, v10;
	v47 =	vadd.s32 $0x1BD11BF0, v12  }
0x17b: {  	v6 =	vor.u32 v6, v9;
	v2 =	vmul.f32 v2, v0;
	v3 =	vadd.s32 $0x1BD11BF0, v3  }
0x17c: {  	v11 =	vor.u32 v13, v45;
	v4 =	vadd.s32 $0x1BD11BF0, v4;
	v5 =	vor.u32 v14, v46  }
0x17d: {  	v8 =	vxor.u32 v7, v8;
	v6 =	vxor.u32 v47, v6;
	v5 =	vxor.u32 v4, v5  }
0x17e: {  	v48 =	vxor.u32 v3, v11;
	v7 =	vadd.s32 v7, v8;
	v49 =	vshrl.u32 v8, $0x11  }
0x17f: {  	v8 =	vshll.u32 v8, $0xF;
	v10 =	vadd.s32 v47, v6;
	v50 =	vshrl.u32 v6, $0x11  }
0x180: {  	v6 =	vshll.u32 v6, $0xF;
	v3 =	vadd.s32 v3, v48;
	v51 =	vshrl.u32 v48, $0x11  }
0x181: {  	v9 =	vshll.u32 v48, $0xF;
	v4 =	vadd.s32 v4, v5;
	v52 =	vshrl.u32 v5, $0x11  }
0x182: {  	v5 =	vshll.u32 v5, $0xF;
	v8 =	vor.u32 v49, v8;
	v6 =	vor.u32 v50, v6  }
0x183: {  	v9 =	vor.u32 v51, v9;
	v8 =	vxor.u32 v7, v8;
	v5 =	vor.u32 v52, v5  }
0x184: {  	v6 =	vxor.u32 v10, v6;
	v7 =	vadd.s32 v7, v8;
	v5 =	vxor.u32 v4, v5  }
0x185: {  	v9 =	vxor.u32 v3, v9;
	v53 =	vshrl.u32 v8, $0x6;
	v8 =	vshll.u32 v8, $0x1A  }
0x186: {  	v10 =	vadd.s32 v10, v6;
	v54 =	vshrl.u32 v6, $0x6;
	v6 =	vshll.u32 v6, $0x1A  }
0x187: {  	v3 =	vadd.s32 v3, v9;
	v4 =	vadd.s32 v4, v5;
	v55 =	vshrl.u32 v9, $0x6  }
0x188: {  	v9 =	vshll.u32 v9, $0x1A;
	v56 =	vshrl.u32 v5, $0x6;
	v5 =	vshll.u32 v5, $0x1A  }
0x189: {  	v8 =	vor.u32 v53, v8;
	v6 =	vor.u32 v54, v6;
	v5 =	vor.u32 v56, v5  }
0x18a: {  	v9 =	vor.u32 v55, v9;
	v8 =	vxor.u32 v7, v8;
	v6 =	vxor.u32 v10, v6  }
0x18b: {  	v9 =	vxor.u32 v3, v9;
	v7 =	vadd.s32 v7, v8;
	v57 =	vshrl.u32 v8, $0x1A  }
0x18c: {  	v5 =	vxor.u32 v4, v5;
	v8 =	vshll.u32 v8, $0x6;
	v10 =	vadd.s32 v10, v6  }
0x18d: {  	v58 =	vshrl.u32 v6, $0x1A;
	v6 =	vshll.u32 v6, $0x6;
	v3 =	vadd.s32 v3, v9  }
0x18e: {  	v59 =	vshrl.u32 v9, $0x1A;
	v4 =	vadd.s32 v4, v5;
	v60 =	vshrl.u32 v5, $0x1A  }
0x18f: {  	v9 =	vshll.u32 v9, $0x6;
	v8 =	vor.u32 v57, v8;
	v5 =	vshll.u32 v5, $0x6  }
0x190: {  	v6 =	vor.u32 v58, v6;
	v8 =	vxor.u32 v7, v8;
	v5 =	vor.u32 v60, v5  }
0x191: {  	v9 =	vor.u32 v59, v9;
	v6 =	vxor.u32 v10, v6;
	v5 =	vxor.u32 v4, v5  }
0x192: {  	v9 =	vxor.u32 v3, v9;
	v8 =	vadd.s32 $0x2D, v8;
	v6 =	vadd.s32 $0x2D, v6  }
0x193: {  	v9 =	vadd.s32 $0x2D, v9;
	v7 =	vadd.s32 v7, v8;
	v61 =	vshrl.u32 v8, $0xF  }
0x194: {  	v5 =	vadd.s32 $0x2D, v5;
	v8 =	vshll.u32 v8, $0x11;
	v10 =	vadd.s32 v10, v6  }
0x195: {  	v62 =	vshrl.u32 v6, $0xF;
	v6 =	vshll.u32 v6, $0x11;
	v3 =	vadd.s32 v3, v9  }
0x196: {  	v63 =	vshrl.u32 v9, $0xF;
	v4 =	vadd.s32 v4, v5;
	v16 =	vshrl.u32 v5, $0xF  }
0x197: {  	v9 =	vshll.u32 v9, $0x11;
	v8 =	vor.u32 v61, v8;
	v5 =	vshll.u32 v5, $0x11  }
0x198: {  	v6 =	vor.u32 v62, v6;
	v8 =	vxor.u32 v7, v8;
	v5 =	vor.u32 v16, v5  }
0x199: {  	v9 =	vor.u32 v63, v9;
	v6 =	vxor.u32 v10, v6;
	v5 =	vxor.u32 v4, v5  }
0x19a: {  	v9 =	vxor.u32 v3, v9;
	v7 =	vadd.s32 v7, v8;
	v17 =	vshrl.u32 v8, $0x3  }
0x19b: {  	v8 =	vshll.u32 v8, $0x1D;
	v10 =	vadd.s32 v10, v6;
	v18 =	vshrl.u32 v6, $0x3  }
0x19c: {  	v6 =	vshll.u32 v6, $0x1D;
	v3 =	vadd.s32 v3, v9;
	v19 =	vshrl.u32 v9, $0x3  }
0x19d: {  	v9 =	vshll.u32 v9, $0x1D;
	v4 =	vadd.s32 v4, v5;
	v20 =	vshrl.u32 v5, $0x3  }
0x19e: {  	v5 =	vshll.u32 v5, $0x1D;
	v8 =	vor.u32 v17, v8;
	v6 =	vor.u32 v18, v6  }
0x19f: {  	v9 =	vor.u32 v19, v9;
	v8 =	vxor.u32 v7, v8;
	v5 =	vor.u32 v20, v5  }
0x1a0: {  	v6 =	vxor.u32 v10, v6;
	v7 =	vadd.s32 v7, v8;
	v5 =	vxor.u32 v4, v5  }
0x1a1: {  	v9 =	vxor.u32 v3, v9;
	v21 =	vshrl.u32 v8, $0x10;
	v8 =	vshll.u32 v8, $0x10  }
0x1a2: {  	v10 =	vadd.s32 v10, v6;
	v22 =	vshrl.u32 v6, $0x10;
	v6 =	vshll.u32 v6, $0x10  }
0x1a3: {  	v3 =	vadd.s32 v3, v9;
	v4 =	vadd.s32 v4, v5;
	v23 =	vshrl.u32 v9, $0x10  }
0x1a4: {  	v9 =	vshll.u32 v9, $0x10;
	v24 =	vshrl.u32 v5, $0x10;
	v5 =	vshll.u32 v5, $0x10  }
0x1a5: {  	v8 =	vor.u32 v21, v8;
	v6 =	vor.u32 v22, v6;
	v5 =	vor.u32 v24, v5  }
0x1a6: {  	v9 =	vor.u32 v23, v9;
	v8 =	vxor.u32 v7, v8;
	v6 =	vxor.u32 v10, v6  }
0x1a7: {  	v9 =	vxor.u32 v3, v9;
	v7 =	vadd.s32 v7, v8;
	v25 =	vshrl.u32 v8, $0x8  }
0x1a8: {  	v5 =	vxor.u32 v4, v5;
	v8 =	vshll.u32 v8, $0x18;
	v10 =	vadd.s32 v10, v6  }
0x1a9: {  	v26 =	vshrl.u32 v6, $0x8;
	v6 =	vshll.u32 v6, $0x18;
	v3 =	vadd.s32 v3, v9  }
0x1aa: {  	v27 =	vshrl.u32 v9, $0x8;
	v8 =	vor.u32 v25, v8;
	v4 =	vadd.s32 v4, v5  }
0x1ab: {  	v9 =	vshll.u32 v9, $0x18;
	v28 =	vshrl.u32 v5, $0x8;
	v8 =	vxor.u32 v7, v8  }
0x1ac: {  	v5 =	vshll.u32 v5, $0x18;
	v6 =	vor.u32 v26, v6;
	v8 =	vadd.s32 $0x1BD11BF4, v8  }
0x1ad: {  	v7 =	vadd.s32 v8, v7;
	v29 =	vshrl.u32 v8, $0x13;
	v8 =	vshll.u32 v8, $0xD  }
0x1ae: {  	v9 =	vor.u32 v27, v9;
	v7 =	vadd.s32 $0x2A, v7;
	v8 =	vor.u32 v29, v8  }
0x1af: {  	v5 =	vor.u32 v28, v5;
	v6 =	vxor.u32 v10, v6;
	v8 =	vxor.u32 v7, v8  }
0x1b0: {  	v9 =	vxor.u32 v3, v9;
	v30 =	vshrl.u32 v8, $0x11;
	v31 =	vshll.u32 v8, $0xF  }
0x1b1: {  	v5 =	vxor.u32 v4, v5;
	v7 =	vadd.s32 v7, v8;
	v32 =	vor.u32 v30, v31  }
0x1b2: {  	v6 =	vadd.s32 $0x1BD11BF4, v6;
	v5 =	vadd.s32 $0x1BD11BF4, v5;
	v8 =	vxor.u32 v7, v32  }
0x1b3: {  	v4 =	vadd.s32 v5, v4;
	v33 =	vshrl.u32 v8, $0x6;
	v34 =	vshll.u32 v8, $0x1A  }
0x1b4: {  	v36 =	vshrl.u32 v5, $0x13;
	v7 =	vadd.s32 v7, v8;
	v35 =	vor.u32 v33, v34  }
0x1b5: {  	v5 =	vshll.u32 v5, $0xD;
	v4 =	vadd.s32 $0x2A, v4;
	v8 =	vxor.u32 v7, v35  }
0x1b6: {  	v5 =	vor.u32 v36, v5;
	v37 =	vshrl.u32 v8, $0x1A;
	v38 =	vshll.u32 v8, $0x6  }
0x1b7: {  	v5 =	vxor.u32 v4, v5;
	v7 =	vadd.s32 v7, v8;
	v39 =	vor.u32 v37, v38  }
0x1b8: {  	v4 =	vadd.s32 v4, v5;
	v40 =	vshrl.u32 v5, $0x11;
	v8 =	vxor.u32 v7, v39  }
0x1b9: {  	v5 =	vshll.u32 v5, $0xF;
	v7 =	vadd.s32 $0x1BD11BF0, v7;
	v8 =	vadd.s32 $0x5, v8  }
0x1ba: {  	v9 =	vadd.s32 $0x1BD11BF4, v9;
	v5 =	vor.u32 v40, v5;
	v7 =	vxor.u32 v7, v8  }
0x1bb: {  	v3 =	vadd.s32 v9, v3;
	v5 =	vxor.u32 v4, v5;
	vm0 =	vlt.u32 v7, $0xE6666600  }
0x1bc: {  	s14 =	sadd.s32 $0x40, s14;
	v41 =	vshrl.u32 v5, $0x6;
	v42 =	vshll.u32 v5, $0x1A;
	v2 =	vnsel vm0, $0x0, v2  }
0x1bd: {  	v44 =	vshrl.u32 v9, $0x13;
	v43 =	vor.u32 v41, v42;
	[tilespmem:s14+$0xFFFFFFE0] =	vst v2;
	v2 =	vadd.s32 v4, v5  }
0x1be: {  	v46 =	vshll.u32 v9, $0xD;
	v3 =	vadd.s32 $0x2A, v3;
	v4 =	vxor.u32 v2, v43;
	v45 =	vld [tilespmem:s15+$0xFFFFFFF0]  }
0x1bf: {  	v5 =	vor.u32 v44, v46;
	v47 =	vshrl.u32 v4, $0x1A;
	v48 =	vshll.u32 v4, $0x6  }
0x1c0: {  	v5 =	vxor.u32 v3, v5;
	v2 =	vadd.s32 v2, v4;
	v49 =	vor.u32 v47, v48  }
0x1c1: {  	v3 =	vadd.s32 v3, v5;
	v50 =	vshrl.u32 v5, $0x11;
	v4 =	vxor.u32 v2, v49  }
0x1c2: {  	v5 =	vshll.u32 v5, $0xF;
	v2 =	vadd.s32 $0x1BD11BF0, v2;
	v4 =	vadd.s32 $0x5, v4  }
0x1c3: {  	v5 =	vor.u32 v50, v5;
	v2 =	vxor.u32 v2, v4;
	v51 =	vmul.f32 v45, v0  }
0x1c4: {  	v52 =	vadd.s32 v6, v10;
	vm13 =	vlt.u32 v2, $0xE6666600;
	v2 =	vxor.u32 v3, v5  }
0x1c5: {  	v4 =	vnsel vm13, $0x0, v51;
	v53 =	vshrl.u32 v2, $0x6;
	v54 =	vshll.u32 v2, $0x1A  }
0x1c6: {  	v55 =	vshrl.u32 v6, $0x13;
	v2 =	vadd.s32 v3, v2;
	[tilespmem:s14+$0xFFFFFFF0] =	vst v4;
	v3 =	vor.u32 v53, v54  }
0x1c7: {  	v6 =	vshll.u32 v6, $0xD;
	v5 =	vadd.s32 $0x2A, v52;
	v3 =	vxor.u32 v2, v3;
	v56 =	vld [tilespmem:s15+$0x0]  }
0x1c8: {  	v4 =	vor.u32 v55, v6;
	v57 =	vshrl.u32 v3, $0x1A;
	v58 =	vshll.u32 v3, $0x6  }
0x1c9: {  	v4 =	vxor.u32 v5, v4;
	v2 =	vadd.s32 v2, v3;
	v3 =	vor.u32 v57, v58  }
0x1ca: {  	v5 =	vadd.s32 v5, v4;
	v59 =	vshrl.u32 v4, $0x11;
	v3 =	vxor.u32 v2, v3  }
0x1cb: {  	v4 =	vshll.u32 v4, $0xF;
	v2 =	vadd.s32 $0x1BD11BF0, v2;
	v3 =	vadd.s32 $0x5, v3  }
0x1cc: {  	v4 =	vor.u32 v59, v4;
	v2 =	vxor.u32 v2, v3;
	v3 =	vmul.f32 v56, v0  }
0x1cd: {  	vm14 =	vlt.u32 v2, $0xE6666600;
	v2 =	vxor.u32 v5, v4  }
0x1ce: {  	v3 =	vnsel vm14, $0x0, v3;
	v4 =	vshrl.u32 v2, $0x6;
	v60 =	vshll.u32 v2, $0x1A  }
0x1cf: {  	v2 =	vadd.s32 v5, v2;
	[tilespmem:s14+$0x0] =	vst v3;
	v3 =	vor.u32 v4, v60  }
0x1d0: {  	v3 =	vxor.u32 v2, v3;
	v61 =	vld [tilespmem:s15+$0x10]  }
0x1d1: {  	v62 =	vshrl.u32 v3, $0x1A;
	v63 =	vshll.u32 v3, $0x6  }
0x1d2: {  	v2 =	vadd.s32 v2, v3;
	v3 =	vor.u32 v62, v63  }
0x1d3: {  	v3 =	vxor.u32 v2, v3  }
0x1d4: {  	v2 =	vadd.s32 $0x1BD11BF0, v2;
	v3 =	vadd.s32 $0x5, v3  }
0x1d5: {  	v2 =	vxor.u32 v2, v3;
	v3 =	vmul.f32 v61, v0  }
0x1d6: {  	s12 =	sadd.s32 $0x1, s12;
	vm15 =	vlt.u32 v2, $0xE6666600  }
0x1d7: {  	p0 =	sne.s32 s12, $0x3;
	v2 =	vnsel vm15, $0x0, v3  }
.Ltmp1:
0x1d8: {  	s13 =	sadd.s32 s2, s13;
	[tilespmem:s14+$0x10] =	vst v2;
	(pc) =	sbr.rel @p0 .LBB2_2-.Ltmp1, $4  }
0x1d9: {  	[hbm4b:s13+s3] =	stream.linear.scatter [tilespmem:s9], [sflag:$0x1], $0x1000, $0x38;
	[tilespmem:$0x2000] =	vst v63  }
0x1da: {  	_ =	swait.ge [sflag:s8], $0x1000  }
0x1db: {  	[sflag:s8] =	ssyncset.done $0x0  }
0x1dc: {  	s11 =	sadd.s32 $0x1000, s11;
	[sflag:s8] =	ssyncadd.s32 $0xFFFFF000  }
0x1dd: {  	s10 =	sadd.s32 $0x1, s10  }
0x1de: {  	p0 =	sne.s32 s10, s6  }
.Ltmp2:
0x1df: {  	_ = 	snop;
	(pc) =	sbr.rel @p0 .LBB2_1-.Ltmp2, $1  }
0x1e0: {  	_ =	sdelay $0x3  }
0x1e1: {  	_ =	sfence.sel $0x180000  }
0x1e2: {  	[bflag:$0x0] =	sbarrier.arrive $0xFFFF  }
0x1e3: {  	p0 =	sne.s32 s4, $0x0;
	_ =	strace $0x90000047  }
0x1e4: {  	s0 =	sadd.s32 @!p0 $0x100000, s0;
	[bflag:$0x2] =	sbarrier.arrive $0xFFFF  }
0x1e5: {  	[sflag:s0] =	ssyncadd.tile.s32 @!p0 $0x1;
	_ =	shalt  }
.Lfunc_end2:
_tile_overlayer_lowered:
.L_overlay_start_2:
0x1e6: {  	(tag) =	ssettag $0x2  }
0x1e7: {  	s0 =	rddreg [dreg:$0x0];
	s2 =	stileid.u32  }
0x1e8: {  	s1 =	rddreg [dreg:$0x1];
	p0 =	sne.s32 s2, $0x0  }
0x1e9: {  	s3 =	rddreg [dreg:$0x2];
	[bflag:$0x3] =	sbarrier.arrive $0xFFFF;
	s2 =	simm.s32 @!p0 $0x1C01  }
0x1ea: {  	[timem:s3], [sflag:s2] =	dma.local @!p0 [hbm:s0], s1  }
0x1eb: {  	s0 =	simm.s32 @!p0 $0x1  }
0x1ec: {  	_ =	swait.ge @!p0 [sflag:s0], s1  }
0x1ed: {  	s1 =	ssub.s32 @!p0 $0x0, s1;
	[sflag:s0] =	ssyncset.done @!p0 $0x0  }
0x1ee: {  	[sflag:s0] =	ssyncadd.s32 @!p0 s1  }
0x1ef: {  	[bflag:$0x3] =	sbarrier.arrive $0xFFFF  }
0x1f0: {  	_ =	shalt  }

</sc_bundles>
